<compile_context>
chip_gen: v7x
topology: tpu7x:2x2x1
jax: 0.10.2.dev20260603
libtpu: 0.0.44.dev20260713+nightly
codegen_flags: <defaults>
</compile_context>

<pallas_src>
import functools

import jax
import jax.numpy as jnp
import numpy as np
from jax import lax
from jax.experimental import pallas as pl
from jax.experimental.pallas import tpu as pltpu
from jax.experimental.pallas import tpu_sc as plsc

N = 2048
K = 48
MAXREL = 32
RBF_DIM = 16
EDGE_F = 128
RBLK = 256
EBLK = 1024
NE = N * K

_PREC = jax.lax.Precision.HIGHEST
_PREC_LO = jax.lax.Precision.DEFAULT


def _topk_body(cap_ref, cat_ref, nbr_ref):
    xi = cap_ref[:, 0:1]
    yi = cap_ref[:, 1:2]
    zi = cap_ref[:, 2:3]
    mi = cap_ref[:, 3:4]
    xj = cat_ref[0:1, :]
    yj = cat_ref[1:2, :]
    zj = cat_ref[2:3, :]
    mj = cat_ref[3:4, :]
    dx = xi - xj
    dy = yi - yj
    dz = zi - zj
    d2 = (dx * dx + dy * dy) + dz * dz
    pm = (mi * mj) != 0.0
    inf = jnp.float32(jnp.inf)
    d2m = jnp.where(pm, d2, inf)
    idxf = lax.broadcasted_iota(jnp.int32, (RBLK, N), 1).astype(jnp.float32)
    cols = []
    for _ in range(K):
        m = jnp.min(d2m, axis=1, keepdims=True)
        am = jnp.min(jnp.where(d2m == m, idxf, jnp.float32(N)), axis=1,
                     keepdims=True)
        cols.append(am)
        d2m = jnp.where(idxf == am, inf, d2m)
    nbr = jnp.concatenate(cols + [jnp.zeros((RBLK, 128 - K), jnp.float32)],
                          axis=1)
    nbr_ref[...] = nbr.astype(jnp.int32)


def _topk_call(cap, cat):
    return pl.pallas_call(
        _topk_body,
        grid=(N // RBLK,),
        in_specs=[
            pl.BlockSpec((RBLK, 128), lambda i: (i, 0)),
            pl.BlockSpec((8, N), lambda i: (0, 0)),
        ],
        out_specs=pl.BlockSpec((RBLK, 128), lambda i: (i, 0)),
        out_shape=jax.ShapeDtypeStruct((N, 128), jnp.int32),
    )(cap, cat)


def _sc_gather(table, idx):
    info = plsc.get_sparse_core_info()
    nw = info.num_cores * info.num_subcores
    bpw = NE // nw
    mesh = plsc.VectorSubcoreMesh(core_axis_name="c", subcore_axis_name="s")

    @functools.partial(
        pl.kernel,
        mesh=mesh,
        compiler_params=pltpu.CompilerParams(use_tc_tiling_on_sc=False),
        out_type=jax.ShapeDtypeStruct((NE, 16), jnp.float32),
        scratch_types=[
            pltpu.VMEM((bpw,), jnp.int32),
            pltpu.VMEM((bpw, 16), jnp.float32),
            pltpu.SemaphoreType.DMA,
        ],
    )
    def gk(table_hbm, idx_hbm, out_hbm, idx_v, rows_v, sem):
        wid = lax.axis_index("s") * info.num_cores + lax.axis_index("c")
        base = wid * bpw
        pltpu.sync_copy(idx_hbm.at[pl.ds(base, bpw)], idx_v)
        pltpu.async_copy(table_hbm.at[idx_v], rows_v, sem).wait()
        pltpu.sync_copy(rows_v, out_hbm.at[pl.ds(base, bpw)])

    return gk(table, idx)


def _edge_body(self_ref, gath_ref, si_ref, sj_ref, rm_ref, mur_ref, wpos_ref,
               bpos_ref, we_ref, lnw_ref, lnb_ref, wproj_ref, bproj_ref,
               out_ref):
    sb = self_ref[...]
    gb = gath_ref[...]
    pi = jnp.dot(sb, si_ref[...], precision=_PREC)
    pj = jnp.dot(gb, sj_ref[...], precision=_PREC)
    df = pi - pj
    sq = df * df
    d2 = (sq[:, 0:32] + sq[:, 32:64]) + sq[:, 64:96]
    dd = jnp.sqrt(d2 + 1e-6)
    ddx = jnp.dot(dd, rm_ref[...], precision=_PREC)
    t = (ddx - mur_ref[0:1, :]) / jnp.float32((22.0 - 2.0) / RBF_DIM)
    rbf = jnp.exp(-(t * t))
    lane = lax.broadcasted_iota(jnp.int32, (EBLK, 512), 1)
    rbf = jnp.where(lane < 16, 0.0, rbf)
    comb_i = sb[:, 15:16]
    comb_j = gb[:, 15:16]
    ch_i = jnp.floor(comb_i * (1.0 / 4096.0))
    ch_j = jnp.floor(comb_j * (1.0 / 4096.0))
    r_i = comb_i - 4096.0 * ch_i
    r_j = comb_j - 4096.0 * ch_j
    ec = (ch_i == ch_j).astype(jnp.float32)
    off_f = jnp.clip((r_i - r_j) + jnp.float32(MAXREL), 0.0,
                     jnp.float32(2 * MAXREL))
    enc = off_f * ec + (1.0 - ec) * jnp.float32(2 * MAXREL + 1)
    lane128 = lax.broadcasted_iota(jnp.int32, (EBLK, 128), 1).astype(
        jnp.float32)
    oneh = (lane128 == enc).astype(jnp.float32)
    pos = jnp.dot(oneh, wpos_ref[...], precision=_PREC_LO)
    edges = rbf + pos + bpos_ref[0:1, :]
    e1 = jnp.dot(edges, we_ref[...], precision=_PREC_LO)
    mu = jnp.mean(e1, axis=1, keepdims=True)
    xc = e1 - mu
    v = jnp.mean(xc * xc, axis=1, keepdims=True)
    y = xc / jnp.sqrt(v + 1e-5) * lnw_ref[0:1, :] + lnb_ref[0:1, :]
    out_ref[...] = (jnp.dot(y, wproj_ref[...], precision=_PREC_LO)
                    + bproj_ref[0:1, :])


def _edge_call(selff, gath, si, sj, rm, mur, wpos, bpos, we, lnw, lnb, wproj,
               bproj):
    full = lambda shape: pl.BlockSpec(shape, lambda i: (0, 0))
    return pl.pallas_call(
        _edge_body,
        grid=(NE // EBLK,),
        in_specs=[
            pl.BlockSpec((EBLK, 16), lambda i: (i, 0)),
            pl.BlockSpec((EBLK, 16), lambda i: (i, 0)),
            full((16, 128)),
            full((16, 128)),
            full((32, 512)),
            full((8, 512)),
            full((128, 512)),
            full((8, 512)),
            full((512, 128)),
            full((8, 128)),
            full((8, 128)),
            full((128, 128)),
            full((8, 128)),
        ],
        out_specs=pl.BlockSpec((EBLK, 128), lambda i: (i, 0)),
        out_shape=jax.ShapeDtypeStruct((NE, 128), jnp.float32),
    )(selff, gath, si, sj, rm, mur, wpos, bpos, we, lnw, lnb, wproj, bproj)


def _build_sel():
    si = np.zeros((16, 128), np.float32)
    sj = np.zeros((16, 128), np.float32)
    rm = np.zeros((32, 512), np.float32)
    mur = np.zeros((8, 512), np.float32)
    mu = np.linspace(2.0, 22.0, RBF_DIM).astype(np.float32)
    for a in range(5):
        for b in range(5):
            p = 5 * a + b
            for c in range(3):
                si[3 * a + c, 32 * c + p] = 1.0
                sj[3 * b + c, 32 * c + p] = 1.0
            for m in range(RBF_DIM):
                rm[p, 16 + 16 * p + m] = 1.0
                mur[0, 16 + 16 * p + m] = mu[m]
    return si, sj, rm, mur


_SI, _SJ, _RM, _MUR = _build_sel()


def kernel(prng_key, structure_coordinates, mask, residue_index, chain_index,
           backbone_noise, W_pos, b_pos, W_e, ln_w, ln_b, W_proj, b_proj):
    new_key, sub = jax.random.split(prng_key)
    coords = structure_coordinates + backbone_noise * jax.random.normal(
        sub, structure_coordinates.shape, structure_coordinates.dtype)
    n = coords[:, 0]
    ca = coords[:, 1]
    c = coords[:, 2]
    o = coords[:, 3]
    b = ca - n
    cc = c - ca
    a = jnp.cross(b, cc)
    cb = -0.58273431 * a + 0.56802827 * b - 0.54067466 * cc + ca
    bb = jnp.stack([n, ca, c, o, cb], axis=1)

    cap = jnp.zeros((N, 128), jnp.float32)
    cap = cap.at[:, 0:3].set(ca).at[:, 3].set(mask)
    cat = jnp.zeros((8, N), jnp.float32)
    cat = cat.at[0:3, :].set(ca.T).at[3, :].set(mask)
    nbr = _topk_call(cap, cat)[:, :K]

    comb = (residue_index.astype(jnp.float32)
            + 4096.0 * chain_index.astype(jnp.float32))
    table = jnp.concatenate([bb.reshape(N, 15), comb[:, None]], axis=1)
    gath = _sc_gather(table, nbr.reshape(-1))
    selff = jnp.broadcast_to(table[:, None, :], (N, K, 16)).reshape(NE, 16)

    wpos = jnp.zeros((128, 512), jnp.float32).at[0:66, 0:16].set(W_pos.T)
    bpos = jnp.zeros((8, 512), jnp.float32).at[0, 0:16].set(b_pos)
    we = jnp.zeros((512, 128), jnp.float32).at[0:416, :].set(W_e.T)
    lnw = jnp.zeros((8, 128), jnp.float32).at[0].set(ln_w)
    lnb = jnp.zeros((8, 128), jnp.float32).at[0].set(ln_b)
    bproj = jnp.zeros((8, 128), jnp.float32).at[0].set(b_proj)
    out = _edge_call(selff, gath, _SI, _SJ, _RM, _MUR, wpos, bpos, we, lnw,
                     lnb, W_proj.T, bproj)
    return out.reshape(N, K, EDGE_F), nbr, new_key

# --- scband reference (transcript-rebuilt; emitter-appended) ---
"""Pipeline reference for scband-protein-features-24764781429445 (READ-ONLY COPY).

The authoritative reference and input builder live on the scoring server;
editing this copy changes nothing except your own understanding.
"""

import jax, jax.numpy as jnp
import numpy as np

N = 2048
K = 48
MAXREL = 32
RBF_DIM = 16
EDGE_F = 128

def _compute_backbone(coords):
    n = coords[:, 0]; ca = coords[:, 1]; c = coords[:, 2]; o = coords[:, 3]
    b = ca - n
    cc = c - ca
    a = jnp.cross(b, cc)
    cb = -0.58273431 * a + 0.56802827 * b - 0.54067466 * cc + ca
    return jnp.stack([n, ca, c, o, cb], axis=1)

def _rbf(d):
    mu = jnp.linspace(2.0, 22.0, RBF_DIM)
    sigma = (22.0 - 2.0) / RBF_DIM
    return jnp.exp(-(((d[..., None] - mu) / sigma) ** 2))

def _layernorm(x, w, b, eps=1e-5):
    m = jnp.mean(x, axis=-1, keepdims=True)
    v = jnp.var(x, axis=-1, keepdims=True)
    return (x - m) / jnp.sqrt(v + eps) * w + b

def _forward(prng_key, coords, mask, residue_index, chain_index, backbone_noise, W_pos, b_pos, W_e, ln_w, ln_b, W_proj, b_proj):
    prng_key, sub = jax.random.split(prng_key)
    noised = coords + backbone_noise * jax.random.normal(sub, coords.shape, dtype=coords.dtype)
    bb = _compute_backbone(noised)
    ca = bb[:, 1]
    dist = jnp.sqrt(jnp.sum((ca[:, None, :] - ca[None, :, :]) ** 2, axis=-1) + 1e-6)
    pair_mask = (mask[:, None] * mask[None, :]).astype(bool)
    dist_masked = jnp.where(pair_mask, dist, jnp.inf)
    k = min(K, coords.shape[0])
    _, nbr = jax.lax.top_k(-dist_masked, k)
    nbr = nbr.astype(jnp.int32)
    gathered = bb[nbr]
    diff = bb[:, None, :, None, :] - gathered[:, :, None, :, :]
    dd = jnp.sqrt(jnp.sum(diff ** 2, axis=-1) + 1e-6)
    rbf = _rbf(dd).reshape(coords.shape[0], k, 5 * 5 * RBF_DIM)
    offsets = residue_index[:, None] - residue_index[nbr]
    edge_chains = (chain_index[:, None] == chain_index[None, :]).astype(jnp.int32)
    ec = jnp.take_along_axis(edge_chains, nbr, axis=1)
    off_f = jnp.clip(offsets + MAXREL, 0, 2 * MAXREL)
    chain_f = (1 - ec) * (2 * MAXREL + 1)
    enc = off_f * ec + chain_f
    one_hot = jax.nn.one_hot(enc, 2 * MAXREL + 2)
    pos = one_hot @ W_pos.T + b_pos
    edges = jnp.concatenate([pos, rbf], axis=-1)
    e = edges @ W_e.T
    e = _layernorm(e, ln_w, ln_b)
    e = e @ W_proj.T + b_proj
    return e, nbr, prng_key

def setup_inputs():
    keys = jax.random.split(jax.random.PRNGKey(0), 8)
    coords = jax.random.normal(keys[0], (N, 4, 3), dtype=jnp.float32) * 10.0
    mask = jnp.ones((N,), dtype=jnp.float32)
    residue_index = jnp.arange(N, dtype=jnp.int32)
    chain_index = (jnp.arange(N) // 512).astype(jnp.int32)
    backbone_noise = jnp.float32(0.02)
    W_pos = jax.random.normal(keys[1], (16, 66), dtype=jnp.float32) / np.sqrt(66.0)
    b_pos = jnp.zeros((16,), dtype=jnp.float32)
    W_e = jax.random.normal(keys[2], (EDGE_F, 416), dtype=jnp.float32) / np.sqrt(416.0)
    ln_w = jnp.ones((EDGE_F,), dtype=jnp.float32)
    ln_b = jnp.zeros((EDGE_F,), dtype=jnp.float32)
    W_proj = jax.random.normal(keys[3], (EDGE_F, EDGE_F), dtype=jnp.float32) / np.sqrt(float(EDGE_F))
    b_proj = jnp.zeros((EDGE_F,), dtype=jnp.float32)
    return {"prng_key": jax.random.PRNGKey(1), "structure_coordinates": coords, "mask": mask, "residue_index": residue_index, "chain_index": chain_index, "backbone_noise": backbone_noise, "W_pos": W_pos, "b_pos": b_pos, "W_e": W_e, "ln_w": ln_w, "ln_b": ln_b, "W_proj": W_proj, "b_proj": b_proj}

def reference(prng_key, structure_coordinates, mask, residue_index, chain_index, backbone_noise, W_pos, b_pos, W_e, ln_w, ln_b, W_proj, b_proj):
    return _forward(prng_key, structure_coordinates, mask, residue_index, chain_index, backbone_noise, W_pos, b_pos, W_e, ln_w, ln_b, W_proj, b_proj)

if __name__ == "__main__":
    import jax
    _d = setup_inputs()
    print(jax.jit(kernel)(*tuple(_d.values())))

</pallas_src>

<mosaic_0001>
#map = affine_map<(d0, d1) -> (0, 0)>
#map1 = affine_map<(d0, d1) -> (0)>
module attributes {stable_mosaic.version = 14 : i64} {
  func.func @gk(%arg0: i32, %arg1: i32, %arg2: memref<2048x16xf32, #tpu.memory_space<hbm>>, %arg3: memref<98304xi32, #tpu.memory_space<hbm>>, %arg4: memref<98304x16xf32, #tpu.memory_space<hbm>>, %arg5: memref<3072xi32, #tpu.memory_space<vmem>>, %arg6: memref<3072x16xf32, #tpu.memory_space<vmem>>, %arg7: memref<!tpu.dma_semaphore, #tpu.memory_space<semaphore_mem>>) attributes {dimension_semantics = [#tpu.dimension_semantics<core_parallel>, #tpu.dimension_semantics<subcore_parallel>], iteration_bounds = array<i64: 2, 16>, scalar_prefetch = 0 : i64, scratch_operands = 3 : i64, tpu.core_type = #tpu.core_type<sc_vector_subcore>, window_params = [{transform_indices = #map}, {transform_indices = #map1}, {transform_indices = #map}]} {
    %mul3A = arith.constant 2 : i32
    %mul3A_0 = arith.muli %arg1, %mul3A : i32
    %add3A = arith.addi %mul3A_0, %arg0 : i32
    %mul3A_1 = arith.constant 3072 : i32
    %mul3A_2 = arith.muli %add3A, %mul3A_1 : i32
    "tpu.region"() ({
      %run_scoped3A = tpu.sem_alloc : memref<!tpu.dma_semaphore, #tpu.memory_space<semaphore_mem>>
      %dma_start3A_7 = tpu.memref_slice %arg3[%mul3A_2] : memref<98304xi32, #tpu.memory_space<hbm>> -> memref<3072xi32, #tpu.memory_space<hbm>>
      %dma_start3A_8 = tpu.memref_slice %arg3[%mul3A_2] : memref<98304xi32, #tpu.memory_space<hbm>> -> memref<3072xi32, #tpu.memory_space<hbm>>
      tpu.enqueue_dma source(%dma_start3A_8 : memref<3072xi32, #tpu.memory_space<hbm>>) target(%arg5 : memref<3072xi32, #tpu.memory_space<vmem>>) target_semaphore(%run_scoped3A : memref<!tpu.dma_semaphore, #tpu.memory_space<semaphore_mem>>)
      %dma_wait3A_9 = tpu.memref_slice %arg3[%mul3A_2] : memref<98304xi32, #tpu.memory_space<hbm>> -> memref<3072xi32, #tpu.memory_space<hbm>>
      %dma_wait3A_10 = tpu.memref_slice %arg3[%mul3A_2] : memref<98304xi32, #tpu.memory_space<hbm>> -> memref<3072xi32, #tpu.memory_space<hbm>>
      tpu.wait_dma2 semaphore(%run_scoped3A : memref<!tpu.dma_semaphore, #tpu.memory_space<semaphore_mem>>) src(%dma_wait3A_10 : memref<3072xi32, #tpu.memory_space<hbm>>) dst(%arg5 : memref<3072xi32, #tpu.memory_space<vmem>>)
      tpu.yield
    }) : () -> ()
    %dma_start3A = arith.constant 0 : i32
    %dma_start3A_3 = arith.constant 0 : i32
    %dma_start3A_4 = tpu.memref_slice %arg2[%dma_start3A, %dma_start3A_3] : memref<2048x16xf32, #tpu.memory_space<hbm>> -> memref<2048x16xf32, #tpu.memory_space<hbm>>
    tpu.enqueue_indirect_dma source(%dma_start3A_4 : memref<2048x16xf32, #tpu.memory_space<hbm>>) target(%arg6 : memref<3072x16xf32, #tpu.memory_space<vmem>>) offsets(%arg5 : memref<3072xi32, #tpu.memory_space<vmem>>) semaphore(%arg7 : memref<!tpu.dma_semaphore, #tpu.memory_space<semaphore_mem>>)
    %dma_wait3A = arith.constant 0 : i32
    %dma_wait3A_5 = arith.constant 0 : i32
    %dma_wait3A_6 = tpu.memref_slice %arg2[%dma_wait3A, %dma_wait3A_5] : memref<2048x16xf32, #tpu.memory_space<hbm>> -> memref<2048x16xf32, #tpu.memory_space<hbm>>
    tpu.wait_indirect_dma semaphore(%arg7 : memref<!tpu.dma_semaphore, #tpu.memory_space<semaphore_mem>>) src(%dma_wait3A_6 : memref<2048x16xf32, #tpu.memory_space<hbm>>) dst(%arg6 : memref<3072x16xf32, #tpu.memory_space<vmem>>)
    "tpu.region"() ({
      %run_scoped3A = tpu.sem_alloc : memref<!tpu.dma_semaphore, #tpu.memory_space<semaphore_mem>>
      %dma_start3A_7 = arith.constant 0 : i32
      %dma_start3A_8 = tpu.memref_slice %arg4[%mul3A_2, %dma_start3A_7] : memref<98304x16xf32, #tpu.memory_space<hbm>> -> memref<3072x16xf32, #tpu.memory_space<hbm>>
      %dma_start3A_9 = arith.constant 0 : i32
      %dma_start3A_10 = tpu.memref_slice %arg4[%mul3A_2, %dma_start3A_9] : memref<98304x16xf32, #tpu.memory_space<hbm>> -> memref<3072x16xf32, #tpu.memory_space<hbm>>
      tpu.enqueue_dma source(%arg6 : memref<3072x16xf32, #tpu.memory_space<vmem>>) target(%dma_start3A_10 : memref<3072x16xf32, #tpu.memory_space<hbm>>) target_semaphore(%run_scoped3A : memref<!tpu.dma_semaphore, #tpu.memory_space<semaphore_mem>>)
      %dma_wait3A_11 = arith.constant 0 : i32
      %dma_wait3A_12 = tpu.memref_slice %arg4[%mul3A_2, %dma_wait3A_11] : memref<98304x16xf32, #tpu.memory_space<hbm>> -> memref<3072x16xf32, #tpu.memory_space<hbm>>
      %dma_wait3A_13 = arith.constant 0 : i32
      %dma_wait3A_14 = tpu.memref_slice %arg4[%mul3A_2, %dma_wait3A_13] : memref<98304x16xf32, #tpu.memory_space<hbm>> -> memref<3072x16xf32, #tpu.memory_space<hbm>>
      tpu.wait_dma2 semaphore(%run_scoped3A : memref<!tpu.dma_semaphore, #tpu.memory_space<semaphore_mem>>) src(%arg6 : memref<3072x16xf32, #tpu.memory_space<vmem>>) dst(%dma_wait3A_14 : memref<3072x16xf32, #tpu.memory_space<hbm>>)
      tpu.yield
    }) : () -> ()
    return
  }
}

module attributes {stable_mosaic.version = 14 : i64} {
  func.func @_topk_body(%arg0: i32, %arg1: memref<256x128xf32, #tpu.memory_space<vmem>>, %arg2: memref<8x2048xf32, #tpu.memory_space<vmem>>, %arg3: memref<256x128xi32, #tpu.memory_space<vmem>>) attributes {dimension_semantics = [#tpu.dimension_semantics<arbitrary>], iteration_bounds = array<i64: 8>, scalar_prefetch = 0 : i64, scratch_operands = 0 : i64, tpu.core_type = #tpu.core_type<tc>, window_params = [{transform_indices = @transform_0, window_bounds = array<i64: 256, 128>}, {pipeline_mode = #tpu.pipeline_mode<synchronous>, transform_indices = @transform_1, window_bounds = array<i64: 8, 2048>}, {transform_indices = @transform_2, window_bounds = array<i64: 256, 128>}]} {
    %get3A = arith.constant 0 : index
    %get3A_0 = arith.constant 0 : index
    %get3A_1 = vector.load %arg1[%get3A, %get3A_0] : memref<256x128xf32, #tpu.memory_space<vmem>>, vector<256x1xf32>
    %get3A_2 = arith.constant 0 : index
    %get3A_3 = arith.constant 1 : index
    %get3A_4 = vector.load %arg1[%get3A_2, %get3A_3] : memref<256x128xf32, #tpu.memory_space<vmem>>, vector<256x1xf32>
    %get3A_5 = arith.constant 0 : index
    %get3A_6 = arith.constant 2 : index
    %get3A_7 = vector.load %arg1[%get3A_5, %get3A_6] : memref<256x128xf32, #tpu.memory_space<vmem>>, vector<256x1xf32>
    %get3A_8 = arith.constant 0 : index
    %get3A_9 = arith.constant 3 : index
    %get3A_10 = vector.load %arg1[%get3A_8, %get3A_9] : memref<256x128xf32, #tpu.memory_space<vmem>>, vector<256x1xf32>
    %get3A_11 = arith.constant 0 : index
    %get3A_12 = arith.constant 0 : index
    %get3A_13 = vector.load %arg2[%get3A_11, %get3A_12] : memref<8x2048xf32, #tpu.memory_space<vmem>>, vector<1x2048xf32>
    %get3A_14 = arith.constant 1 : index
    %get3A_15 = arith.constant 0 : index
    %get3A_16 = vector.load %arg2[%get3A_14, %get3A_15] : memref<8x2048xf32, #tpu.memory_space<vmem>>, vector<1x2048xf32>
    %get3A_17 = arith.constant 2 : index
    %get3A_18 = arith.constant 0 : index
    %get3A_19 = vector.load %arg2[%get3A_17, %get3A_18] : memref<8x2048xf32, #tpu.memory_space<vmem>>, vector<1x2048xf32>
    %get3A_20 = arith.constant 3 : index
    %get3A_21 = arith.constant 0 : index
    %get3A_22 = vector.load %arg2[%get3A_20, %get3A_21] : memref<8x2048xf32, #tpu.memory_space<vmem>>, vector<1x2048xf32>
    %sub3A = vector.broadcast %get3A_1 : vector<256x1xf32> to vector<256x2048xf32>
    %sub3A_23 = vector.broadcast %get3A_13 : vector<1x2048xf32> to vector<256x2048xf32>
    %sub3A_24 = arith.subf %sub3A, %sub3A_23 : vector<256x2048xf32>
    %sub3A_25 = vector.broadcast %get3A_4 : vector<256x1xf32> to vector<256x2048xf32>
    %sub3A_26 = vector.broadcast %get3A_16 : vector<1x2048xf32> to vector<256x2048xf32>
    %sub3A_27 = arith.subf %sub3A_25, %sub3A_26 : vector<256x2048xf32>
    %sub3A_28 = vector.broadcast %get3A_7 : vector<256x1xf32> to vector<256x2048xf32>
    %sub3A_29 = vector.broadcast %get3A_19 : vector<1x2048xf32> to vector<256x2048xf32>
    %sub3A_30 = arith.subf %sub3A_28, %sub3A_29 : vector<256x2048xf32>
    %mul3A = arith.mulf %sub3A_24, %sub3A_24 : vector<256x2048xf32>
    %mul3A_31 = arith.mulf %sub3A_27, %sub3A_27 : vector<256x2048xf32>
    %add3A = arith.addf %mul3A, %mul3A_31 : vector<256x2048xf32>
    %mul3A_32 = arith.mulf %sub3A_30, %sub3A_30 : vector<256x2048xf32>
    %add3A_33 = arith.addf %add3A, %mul3A_32 : vector<256x2048xf32>
    %mul3A_34 = vector.broadcast %get3A_10 : vector<256x1xf32> to vector<256x2048xf32>
    %mul3A_35 = vector.broadcast %get3A_22 : vector<1x2048xf32> to vector<256x2048xf32>
    %mul3A_36 = arith.mulf %mul3A_34, %mul3A_35 : vector<256x2048xf32>
    %ne3A = arith.constant 0.000000e+00 : f32
    %ne3A_37 = vector.broadcast %ne3A : f32 to vector<256x2048xf32>
    %ne3A_38 = arith.cmpf one, %mul3A_36, %ne3A_37 : vector<256x2048xf32>
    %jit3A = arith.constant 0x7F800000 : f32
    %broadcast_in_dim3A = vector.broadcast %jit3A : f32 to vector<256x2048xf32>
    %select_n3A = arith.select %ne3A_38, %add3A_33, %broadcast_in_dim3A : vector<256x2048xi1>, vector<256x2048xf32>
    %iota3A = tpu.iota {dimensions = array<i32: 1>} : vector<256x2048xi32>
    %convert_element_type3A = arith.sitofp %iota3A : vector<256x2048xi32> to vector<256x2048xf32>
    %reduce_min3A = arith.constant dense<0x7F800000> : vector<256xf32>
    %reduce_min3A_39 = vector.multi_reduction <minimumf>, %select_n3A, %reduce_min3A [1] : vector<256x2048xf32> to vector<256xf32>
    %broadcast_in_dim3A_40 = vector.shape_cast %reduce_min3A_39 : vector<256xf32> to vector<256x1xf32>
    %eq3A = vector.broadcast %broadcast_in_dim3A_40 : vector<256x1xf32> to vector<256x2048xf32>
    %eq3A_41 = arith.cmpf oeq, %select_n3A, %eq3A : vector<256x2048xf32>
    %jit3A_42 = arith.constant 2.048000e+03 : f32
    %broadcast_in_dim3A_43 = vector.broadcast %jit3A_42 : f32 to vector<256x2048xf32>
    %select_n3A_44 = arith.select %eq3A_41, %convert_element_type3A, %broadcast_in_dim3A_43 : vector<256x2048xi1>, vector<256x2048xf32>
    %reduce_min3A_45 = arith.constant dense<0x7F800000> : vector<256xf32>
    %reduce_min3A_46 = vector.multi_reduction <minimumf>, %select_n3A_44, %reduce_min3A_45 [1] : vector<256x2048xf32> to vector<256xf32>
    %broadcast_in_dim3A_47 = vector.shape_cast %reduce_min3A_46 : vector<256xf32> to vector<256x1xf32>
    %eq3A_48 = vector.broadcast %broadcast_in_dim3A_47 : vector<256x1xf32> to vector<256x2048xf32>
    %eq3A_49 = arith.cmpf oeq, %convert_element_type3A, %eq3A_48 : vector<256x2048xf32>
    %jit3A_50 = arith.constant 0x7F800000 : f32
    %broadcast_in_dim3A_51 = vector.broadcast %jit3A_50 : f32 to vector<256x2048xf32>
    %select_n3A_52 = arith.select %eq3A_49, %broadcast_in_dim3A_51, %select_n3A : vector<256x2048xi1>, vector<256x2048xf32>
    %reduce_min3A_53 = arith.constant dense<0x7F800000> : vector<256xf32>
    %reduce_min3A_54 = vector.multi_reduction <minimumf>, %select_n3A_52, %reduce_min3A_53 [1] : vector<256x2048xf32> to vector<256xf32>
    %broadcast_in_dim3A_55 = vector.shape_cast %reduce_min3A_54 : vector<256xf32> to vector<256x1xf32>
    %eq3A_56 = vector.broadcast %broadcast_in_dim3A_55 : vector<256x1xf32> to vector<256x2048xf32>
    %eq3A_57 = arith.cmpf oeq, %select_n3A_52, %eq3A_56 : vector<256x2048xf32>
    %jit3A_58 = arith.constant 2.048000e+03 : f32
    %broadcast_in_dim3A_59 = vector.broadcast %jit3A_58 : f32 to vector<256x2048xf32>
    %select_n3A_60 = arith.select %eq3A_57, %convert_element_type3A, %broadcast_in_dim3A_59 : vector<256x2048xi1>, vector<256x2048xf32>
    %reduce_min3A_61 = arith.constant dense<0x7F800000> : vector<256xf32>
    %reduce_min3A_62 = vector.multi_reduction <minimumf>, %select_n3A_60, %reduce_min3A_61 [1] : vector<256x2048xf32> to vector<256xf32>
    %broadcast_in_dim3A_63 = vector.shape_cast %reduce_min3A_62 : vector<256xf32> to vector<256x1xf32>
    %eq3A_64 = vector.broadcast %broadcast_in_dim3A_63 : vector<256x1xf32> to vector<256x2048xf32>
    %eq3A_65 = arith.cmpf oeq, %convert_element_type3A, %eq3A_64 : vector<256x2048xf32>
    %jit3A_66 = arith.constant 0x7F800000 : f32
    %broadcast_in_dim3A_67 = vector.broadcast %jit3A_66 : f32 to vector<256x2048xf32>
    %select_n3A_68 = arith.select %eq3A_65, %broadcast_in_dim3A_67, %select_n3A_52 : vector<256x2048xi1>, vector<256x2048xf32>
    %reduce_min3A_69 = arith.constant dense<0x7F800000> : vector<256xf32>
    %reduce_min3A_70 = vector.multi_reduction <minimumf>, %select_n3A_68, %reduce_min3A_69 [1] : vector<256x2048xf32> to vector<256xf32>
    %broadcast_in_dim3A_71 = vector.shape_cast %reduce_min3A_70 : vector<256xf32> to vector<256x1xf32>
    %eq3A_72 = vector.broadcast %broadcast_in_dim3A_71 : vector<256x1xf32> to vector<256x2048xf32>
    %eq3A_73 = arith.cmpf oeq, %select_n3A_68, %eq3A_72 : vector<256x2048xf32>
    %jit3A_74 = arith.constant 2.048000e+03 : f32
    %broadcast_in_dim3A_75 = vector.broadcast %jit3A_74 : f32 to vector<256x2048xf32>
    %select_n3A_76 = arith.select %eq3A_73, %convert_element_type3A, %broadcast_in_dim3A_75 : vector<256x2048xi1>, vector<256x2048xf32>
    %reduce_min3A_77 = arith.constant dense<0x7F800000> : vector<256xf32>
    %reduce_min3A_78 = vector.multi_reduction <minimumf>, %select_n3A_76, %reduce_min3A_77 [1] : vector<256x2048xf32> to vector<256xf32>
    %broadcast_in_dim3A_79 = vector.shape_cast %reduce_min3A_78 : vector<256xf32> to vector<256x1xf32>
    %eq3A_80 = vector.broadcast %broadcast_in_dim3A_79 : vector<256x1xf32> to vector<256x2048xf32>
    %eq3A_81 = arith.cmpf oeq, %convert_element_type3A, %eq3A_80 : vector<256x2048xf32>
    %jit3A_82 = arith.constant 0x7F800000 : f32
    %broadcast_in_dim3A_83 = vector.broadcast %jit3A_82 : f32 to vector<256x2048xf32>
    %select_n3A_84 = arith.select %eq3A_81, %broadcast_in_dim3A_83, %select_n3A_68 : vector<256x2048xi1>, vector<256x2048xf32>
    %reduce_min3A_85 = arith.constant dense<0x7F800000> : vector<256xf32>
    %reduce_min3A_86 = vector.multi_reduction <minimumf>, %select_n3A_84, %reduce_min3A_85 [1] : vector<256x2048xf32> to vector<256xf32>
    %broadcast_in_dim3A_87 = vector.shape_cast %reduce_min3A_86 : vector<256xf32> to vector<256x1xf32>
    %eq3A_88 = vector.broadcast %broadcast_in_dim3A_87 : vector<256x1xf32> to vector<256x2048xf32>
    %eq3A_89 = arith.cmpf oeq, %select_n3A_84, %eq3A_88 : vector<256x2048xf32>
    %jit3A_90 = arith.constant 2.048000e+03 : f32
    %broadcast_in_dim3A_91 = vector.broadcast %jit3A_90 : f32 to vector<256x2048xf32>
    %select_n3A_92 = arith.select %eq3A_89, %convert_element_type3A, %broadcast_in_dim3A_91 : vector<256x2048xi1>, vector<256x2048xf32>
    %reduce_min3A_93 = arith.constant dense<0x7F800000> : vector<256xf32>
    %reduce_min3A_94 = vector.multi_reduction <minimumf>, %select_n3A_92, %reduce_min3A_93 [1] : vector<256x2048xf32> to vector<256xf32>
    %broadcast_in_dim3A_95 = vector.shape_cast %reduce_min3A_94 : vector<256xf32> to vector<256x1xf32>
    %eq3A_96 = vector.broadcast %broadcast_in_dim3A_95 : vector<256x1xf32> to vector<256x2048xf32>
    %eq3A_97 = arith.cmpf oeq, %convert_element_type3A, %eq3A_96 : vector<256x2048xf32>
    %jit3A_98 = arith.constant 0x7F800000 : f32
    %broadcast_in_dim3A_99 = vector.broadcast %jit3A_98 : f32 to vector<256x2048xf32>
    %select_n3A_100 = arith.select %eq3A_97, %broadcast_in_dim3A_99, %select_n3A_84 : vector<256x2048xi1>, vector<256x2048xf32>
    %reduce_min3A_101 = arith.constant dense<0x7F800000> : vector<256xf32>
    %reduce_min3A_102 = vector.multi_reduction <minimumf>, %select_n3A_100, %reduce_min3A_101 [1] : vector<256x2048xf32> to vector<256xf32>
    %broadcast_in_dim3A_103 = vector.shape_cast %reduce_min3A_102 : vector<256xf32> to vector<256x1xf32>
    %eq3A_104 = vector.broadcast %broadcast_in_dim3A_103 : vector<256x1xf32> to vector<256x2048xf32>
    %eq3A_105 = arith.cmpf oeq, %select_n3A_100, %eq3A_104 : vector<256x2048xf32>
    %jit3A_106 = arith.constant 2.048000e+03 : f32
    %broadcast_in_dim3A_107 = vector.broadcast %jit3A_106 : f32 to vector<256x2048xf32>
    %select_n3A_108 = arith.select %eq3A_105, %convert_element_type3A, %broadcast_in_dim3A_107 : vector<256x2048xi1>, vector<256x2048xf32>
    %reduce_min3A_109 = arith.constant dense<0x7F800000> : vector<256xf32>
    %reduce_min3A_110 = vector.multi_reduction <minimumf>, %select_n3A_108, %reduce_min3A_109 [1] : vector<256x2048xf32> to vector<256xf32>
    %broadcast_in_dim3A_111 = vector.shape_cast %reduce_min3A_110 : vector<256xf32> to vector<256x1xf32>
    %eq3A_112 = vector.broadcast %broadcast_in_dim3A_111 : vector<256x1xf32> to vector<256x2048xf32>
    %eq3A_113 = arith.cmpf oeq, %convert_element_type3A, %eq3A_112 : vector<256x2048xf32>
    %jit3A_114 = arith.constant 0x7F800000 : f32
    %broadcast_in_dim3A_115 = vector.broadcast %jit3A_114 : f32 to vector<256x2048xf32>
    %select_n3A_116 = arith.select %eq3A_113, %broadcast_in_dim3A_115, %select_n3A_100 : vector<256x2048xi1>, vector<256x2048xf32>
    %reduce_min3A_117 = arith.constant dense<0x7F800000> : vector<256xf32>
    %reduce_min3A_118 = vector.multi_reduction <minimumf>, %select_n3A_116, %reduce_min3A_117 [1] : vector<256x2048xf32> to vector<256xf32>
    %broadcast_in_dim3A_119 = vector.shape_cast %reduce_min3A_118 : vector<256xf32> to vector<256x1xf32>
    %eq3A_120 = vector.broadcast %broadcast_in_dim3A_119 : vector<256x1xf32> to vector<256x2048xf32>
    %eq3A_121 = arith.cmpf oeq, %select_n3A_116, %eq3A_120 : vector<256x2048xf32>
    %jit3A_122 = arith.constant 2.048000e+03 : f32
    %broadcast_in_dim3A_123 = vector.broadcast %jit3A_122 : f32 to vector<256x2048xf32>
    %select_n3A_124 = arith.select %eq3A_121, %convert_element_type3A, %broadcast_in_dim3A_123 : vector<256x2048xi1>, vector<256x2048xf32>
    %reduce_min3A_125 = arith.constant dense<0x7F800000> : vector<256xf32>
    %reduce_min3A_126 = vector.multi_reduction <minimumf>, %select_n3A_124, %reduce_min3A_125 [1] : vector<256x2048xf32> to vector<256xf32>
    %broadcast_in_dim3A_127 = vector.shape_cast %reduce_min3A_126 : vector<256xf32> to vector<256x1xf32>
    %eq3A_128 = vector.broadcast %broadcast_in_dim3A_127 : vector<256x1xf32> to vector<256x2048xf32>
    %eq3A_129 = arith.cmpf oeq, %convert_element_type3A, %eq3A_128 : vector<256x2048xf32>
    %jit3A_130 = arith.constant 0x7F800000 : f32
    %broadcast_in_dim3A_131 = vector.broadcast %jit3A_130 : f32 to vector<256x2048xf32>
    %select_n3A_132 = arith.select %eq3A_129, %broadcast_in_dim3A_131, %select_n3A_116 : vector<256x2048xi1>, vector<256x2048xf32>
    %reduce_min3A_133 = arith.constant dense<0x7F800000> : vector<256xf32>
    %reduce_min3A_134 = vector.multi_reduction <minimumf>, %select_n3A_132, %reduce_min3A_133 [1] : vector<256x2048xf32> to vector<256xf32>
    %broadcast_in_dim3A_135 = vector.shape_cast %reduce_min3A_134 : vector<256xf32> to vector<256x1xf32>
    %eq3A_136 = vector.broadcast %broadcast_in_dim3A_135 : vector<256x1xf32> to vector<256x2048xf32>
    %eq3A_137 = arith.cmpf oeq, %select_n3A_132, %eq3A_136 : vector<256x2048xf32>
    %jit3A_138 = arith.constant 2.048000e+03 : f32
    %broadcast_in_dim3A_139 = vector.broadcast %jit3A_138 : f32 to vector<256x2048xf32>
    %select_n3A_140 = arith.select %eq3A_137, %convert_element_type3A, %broadcast_in_dim3A_139 : vector<256x2048xi1>, vector<256x2048xf32>
    %reduce_min3A_141 = arith.constant dense<0x7F800000> : vector<256xf32>
    %reduce_min3A_142 = vector.multi_reduction <minimumf>, %select_n3A_140, %reduce_min3A_141 [1] : vector<256x2048xf32> to vector<256xf32>
    %broadcast_in_dim3A_143 = vector.shape_cast %reduce_min3A_142 : vector<256xf32> to vector<256x1xf32>
    %eq3A_144 = vector.broadcast %broadcast_in_dim3A_143 : vector<256x1xf32> to vector<256x2048xf32>
    %eq3A_145 = arith.cmpf oeq, %convert_element_type3A, %eq3A_144 : vector<256x2048xf32>
    %jit3A_146 = arith.constant 0x7F800000 : f32
    %broadcast_in_dim3A_147 = vector.broadcast %jit3A_146 : f32 to vector<256x2048xf32>
    %select_n3A_148 = arith.select %eq3A_145, %broadcast_in_dim3A_147, %select_n3A_132 : vector<256x2048xi1>, vector<256x2048xf32>
    %reduce_min3A_149 = arith.constant dense<0x7F800000> : vector<256xf32>
    %reduce_min3A_150 = vector.multi_reduction <minimumf>, %select_n3A_148, %reduce_min3A_149 [1] : vector<256x2048xf32> to vector<256xf32>
    %broadcast_in_dim3A_151 = vector.shape_cast %reduce_min3A_150 : vector<256xf32> to vector<256x1xf32>
    %eq3A_152 = vector.broadcast %broadcast_in_dim3A_151 : vector<256x1xf32> to vector<256x2048xf32>
    %eq3A_153 = arith.cmpf oeq, %select_n3A_148, %eq3A_152 : vector<256x2048xf32>
    %jit3A_154 = arith.constant 2.048000e+03 : f32
    %broadcast_in_dim3A_155 = vector.broadcast %jit3A_154 : f32 to vector<256x2048xf32>
    %select_n3A_156 = arith.select %eq3A_153, %convert_element_type3A, %broadcast_in_dim3A_155 : vector<256x2048xi1>, vector<256x2048xf32>
    %reduce_min3A_157 = arith.constant dense<0x7F800000> : vector<256xf32>
    %reduce_min3A_158 = vector.multi_reduction <minimumf>, %select_n3A_156, %reduce_min3A_157 [1] : vector<256x2048xf32> to vector<256xf32>
    %broadcast_in_dim3A_159 = vector.shape_cast %reduce_min3A_158 : vector<256xf32> to vector<256x1xf32>
    %eq3A_160 = vector.broadcast %broadcast_in_dim3A_159 : vector<256x1xf32> to vector<256x2048xf32>
    %eq3A_161 = arith.cmpf oeq, %convert_element_type3A, %eq3A_160 : vector<256x2048xf32>
    %jit3A_162 = arith.constant 0x7F800000 : f32
    %broadcast_in_dim3A_163 = vector.broadcast %jit3A_162 : f32 to vector<256x2048xf32>
    %select_n3A_164 = arith.select %eq3A_161, %broadcast_in_dim3A_163, %select_n3A_148 : vector<256x2048xi1>, vector<256x2048xf32>
    %reduce_min3A_165 = arith.constant dense<0x7F800000> : vector<256xf32>
    %reduce_min3A_166 = vector.multi_reduction <minimumf>, %select_n3A_164, %reduce_min3A_165 [1] : vector<256x2048xf32> to vector<256xf32>
    %broadcast_in_dim3A_167 = vector.shape_cast %reduce_min3A_166 : vector<256xf32> to vector<256x1xf32>
    %eq3A_168 = vector.broadcast %broadcast_in_dim3A_167 : vector<256x1xf32> to vector<256x2048xf32>
    %eq3A_169 = arith.cmpf oeq, %select_n3A_164, %eq3A_168 : vector<256x2048xf32>
    %jit3A_170 = arith.constant 2.048000e+03 : f32
    %broadcast_in_dim3A_171 = vector.broadcast %jit3A_170 : f32 to vector<256x2048xf32>
    %select_n3A_172 = arith.select %eq3A_169, %convert_element_type3A, %broadcast_in_dim3A_171 : vector<256x2048xi1>, vector<256x2048xf32>
    %reduce_min3A_173 = arith.constant dense<0x7F800000> : vector<256xf32>
    %reduce_min3A_174 = vector.multi_reduction <minimumf>, %select_n3A_172, %reduce_min3A_173 [1] : vector<256x2048xf32> to vector<256xf32>
    %broadcast_in_dim3A_175 = vector.shape_cast %reduce_min3A_174 : vector<256xf32> to vector<256x1xf32>
    %eq3A_176 = vector.broadcast %broadcast_in_dim3A_175 : vector<256x1xf32> to vector<256x2048xf32>
    %eq3A_177 = arith.cmpf oeq, %convert_element_type3A, %eq3A_176 : vector<256x2048xf32>
    %jit3A_178 = arith.constant 0x7F800000 : f32
    %broadcast_in_dim3A_179 = vector.broadcast %jit3A_178 : f32 to vector<256x2048xf32>
    %select_n3A_180 = arith.select %eq3A_177, %broadcast_in_dim3A_179, %select_n3A_164 : vector<256x2048xi1>, vector<256x2048xf32>
    %reduce_min3A_181 = arith.constant dense<0x7F800000> : vector<256xf32>
    %reduce_min3A_182 = vector.multi_reduction <minimumf>, %select_n3A_180, %reduce_min3A_181 [1] : vector<256x2048xf32> to vector<256xf32>
    %broadcast_in_dim3A_183 = vector.shape_cast %reduce_min3A_182 : vector<256xf32> to vector<256x1xf32>
    %eq3A_184 = vector.broadcast %broadcast_in_dim3A_183 : vector<256x1xf32> to vector<256x2048xf32>
    %eq3A_185 = arith.cmpf oeq, %select_n3A_180, %eq3A_184 : vector<256x2048xf32>
    %jit3A_186 = arith.constant 2.048000e+03 : f32
    %broadcast_in_dim3A_187 = vector.broadcast %jit3A_186 : f32 to vector<256x2048xf32>
    %select_n3A_188 = arith.select %eq3A_185, %convert_element_type3A, %broadcast_in_dim3A_187 : vector<256x2048xi1>, vector<256x2048xf32>
    %reduce_min3A_189 = arith.constant dense<0x7F800000> : vector<256xf32>
    %reduce_min3A_190 = vector.multi_reduction <minimumf>, %select_n3A_188, %reduce_min3A_189 [1] : vector<256x2048xf32> to vector<256xf32>
    %broadcast_in_dim3A_191 = vector.shape_cast %reduce_min3A_190 : vector<256xf32> to vector<256x1xf32>
    %eq3A_192 = vector.broadcast %broadcast_in_dim3A_191 : vector<256x1xf32> to vector<256x2048xf32>
    %eq3A_193 = arith.cmpf oeq, %convert_element_type3A, %eq3A_192 : vector<256x2048xf32>
    %jit3A_194 = arith.constant 0x7F800000 : f32
    %broadcast_in_dim3A_195 = vector.broadcast %jit3A_194 : f32 to vector<256x2048xf32>
    %select_n3A_196 = arith.select %eq3A_193, %broadcast_in_dim3A_195, %select_n3A_180 : vector<256x2048xi1>, vector<256x2048xf32>
    %reduce_min3A_197 = arith.constant dense<0x7F800000> : vector<256xf32>
    %reduce_min3A_198 = vector.multi_reduction <minimumf>, %select_n3A_196, %reduce_min3A_197 [1] : vector<256x2048xf32> to vector<256xf32>
    %broadcast_in_dim3A_199 = vector.shape_cast %reduce_min3A_198 : vector<256xf32> to vector<256x1xf32>
    %eq3A_200 = vector.broadcast %broadcast_in_dim3A_199 : vector<256x1xf32> to vector<256x2048xf32>
    %eq3A_201 = arith.cmpf oeq, %select_n3A_196, %eq3A_200 : vector<256x2048xf32>
    %jit3A_202 = arith.constant 2.048000e+03 : f32
    %broadcast_in_dim3A_203 = vector.broadcast %jit3A_202 : f32 to vector<256x2048xf32>
    %select_n3A_204 = arith.select %eq3A_201, %convert_element_type3A, %broadcast_in_dim3A_203 : vector<256x2048xi1>, vector<256x2048xf32>
    %reduce_min3A_205 = arith.constant dense<0x7F800000> : vector<256xf32>
    %reduce_min3A_206 = vector.multi_reduction <minimumf>, %select_n3A_204, %reduce_min3A_205 [1] : vector<256x2048xf32> to vector<256xf32>
    %broadcast_in_dim3A_207 = vector.shape_cast %reduce_min3A_206 : vector<256xf32> to vector<256x1xf32>
    %eq3A_208 = vector.broadcast %broadcast_in_dim3A_207 : vector<256x1xf32> to vector<256x2048xf32>
    %eq3A_209 = arith.cmpf oeq, %convert_element_type3A, %eq3A_208 : vector<256x2048xf32>
    %jit3A_210 = arith.constant 0x7F800000 : f32
    %broadcast_in_dim3A_211 = vector.broadcast %jit3A_210 : f32 to vector<256x2048xf32>
    %select_n3A_212 = arith.select %eq3A_209, %broadcast_in_dim3A_211, %select_n3A_196 : vector<256x2048xi1>, vector<256x2048xf32>
    %reduce_min3A_213 = arith.constant dense<0x7F800000> : vector<256xf32>
    %reduce_min3A_214 = vector.multi_reduction <minimumf>, %select_n3A_212, %reduce_min3A_213 [1] : vector<256x2048xf32> to vector<256xf32>
    %broadcast_in_dim3A_215 = vector.shape_cast %reduce_min3A_214 : vector<256xf32> to vector<256x1xf32>
    %eq3A_216 = vector.broadcast %broadcast_in_dim3A_215 : vector<256x1xf32> to vector<256x2048xf32>
    %eq3A_217 = arith.cmpf oeq, %select_n3A_212, %eq3A_216 : vector<256x2048xf32>
    %jit3A_218 = arith.constant 2.048000e+03 : f32
    %broadcast_in_dim3A_219 = vector.broadcast %jit3A_218 : f32 to vector<256x2048xf32>
    %select_n3A_220 = arith.select %eq3A_217, %convert_element_type3A, %broadcast_in_dim3A_219 : vector<256x2048xi1>, vector<256x2048xf32>
    %reduce_min3A_221 = arith.constant dense<0x7F800000> : vector<256xf32>
    %reduce_min3A_222 = vector.multi_reduction <minimumf>, %select_n3A_220, %reduce_min3A_221 [1] : vector<256x2048xf32> to vector<256xf32>
    %broadcast_in_dim3A_223 = vector.shape_cast %reduce_min3A_222 : vector<256xf32> to vector<256x1xf32>
    %eq3A_224 = vector.broadcast %broadcast_in_dim3A_223 : vector<256x1xf32> to vector<256x2048xf32>
    %eq3A_225 = arith.cmpf oeq, %convert_element_type3A, %eq3A_224 : vector<256x2048xf32>
    %jit3A_226 = arith.constant 0x7F800000 : f32
    %broadcast_in_dim3A_227 = vector.broadcast %jit3A_226 : f32 to vector<256x2048xf32>
    %select_n3A_228 = arith.select %eq3A_225, %broadcast_in_dim3A_227, %select_n3A_212 : vector<256x2048xi1>, vector<256x2048xf32>
    %reduce_min3A_229 = arith.constant dense<0x7F800000> : vector<256xf32>
    %reduce_min3A_230 = vector.multi_reduction <minimumf>, %select_n3A_228, %reduce_min3A_229 [1] : vector<256x2048xf32> to vector<256xf32>
    %broadcast_in_dim3A_231 = vector.shape_cast %reduce_min3A_230 : vector<256xf32> to vector<256x1xf32>
    %eq3A_232 = vector.broadcast %broadcast_in_dim3A_231 : vector<256x1xf32> to vector<256x2048xf32>
    %eq3A_233 = arith.cmpf oeq, %select_n3A_228, %eq3A_232 : vector<256x2048xf32>
    %jit3A_234 = arith.constant 2.048000e+03 : f32
    %broadcast_in_dim3A_235 = vector.broadcast %jit3A_234 : f32 to vector<256x2048xf32>
    %select_n3A_236 = arith.select %eq3A_233, %convert_element_type3A, %broadcast_in_dim3A_235 : vector<256x2048xi1>, vector<256x2048xf32>
    %reduce_min3A_237 = arith.constant dense<0x7F800000> : vector<256xf32>
    %reduce_min3A_238 = vector.multi_reduction <minimumf>, %select_n3A_236, %reduce_min3A_237 [1] : vector<256x2048xf32> to vector<256xf32>
    %broadcast_in_dim3A_239 = vector.shape_cast %reduce_min3A_238 : vector<256xf32> to vector<256x1xf32>
    %eq3A_240 = vector.broadcast %broadcast_in_dim3A_239 : vector<256x1xf32> to vector<256x2048xf32>
    %eq3A_241 = arith.cmpf oeq, %convert_element_type3A, %eq3A_240 : vector<256x2048xf32>
    %jit3A_242 = arith.constant 0x7F800000 : f32
    %broadcast_in_dim3A_243 = vector.broadcast %jit3A_242 : f32 to vector<256x2048xf32>
    %select_n3A_244 = arith.select %eq3A_241, %broadcast_in_dim3A_243, %select_n3A_228 : vector<256x2048xi1>, vector<256x2048xf32>
    %reduce_min3A_245 = arith.constant dense<0x7F800000> : vector<256xf32>
    %reduce_min3A_246 = vector.multi_reduction <minimumf>, %select_n3A_244, %reduce_min3A_245 [1] : vector<256x2048xf32> to vector<256xf32>
    %broadcast_in_dim3A_247 = vector.shape_cast %reduce_min3A_246 : vector<256xf32> to vector<256x1xf32>
    %eq3A_248 = vector.broadcast %broadcast_in_dim3A_247 : vector<256x1xf32> to vector<256x2048xf32>
    %eq3A_249 = arith.cmpf oeq, %select_n3A_244, %eq3A_248 : vector<256x2048xf32>
    %jit3A_250 = arith.constant 2.048000e+03 : f32
    %broadcast_in_dim3A_251 = vector.broadcast %jit3A_250 : f32 to vector<256x2048xf32>
    %select_n3A_252 = arith.select %eq3A_249, %convert_element_type3A, %broadcast_in_dim3A_251 : vector<256x2048xi1>, vector<256x2048xf32>
    %reduce_min3A_253 = arith.constant dense<0x7F800000> : vector<256xf32>
    %reduce_min3A_254 = vector.multi_reduction <minimumf>, %select_n3A_252, %reduce_min3A_253 [1] : vector<256x2048xf32> to vector<256xf32>
    %broadcast_in_dim3A_255 = vector.shape_cast %reduce_min3A_254 : vector<256xf32> to vector<256x1xf32>
    %eq3A_256 = vector.broadcast %broadcast_in_dim3A_255 : vector<256x1xf32> to vector<256x2048xf32>
    %eq3A_257 = arith.cmpf oeq, %convert_element_type3A, %eq3A_256 : vector<256x2048xf32>
    %jit3A_258 = arith.constant 0x7F800000 : f32
    %broadcast_in_dim3A_259 = vector.broadcast %jit3A_258 : f32 to vector<256x2048xf32>
    %select_n3A_260 = arith.select %eq3A_257, %broadcast_in_dim3A_259, %select_n3A_244 : vector<256x2048xi1>, vector<256x2048xf32>
    %reduce_min3A_261 = arith.constant dense<0x7F800000> : vector<256xf32>
    %reduce_min3A_262 = vector.multi_reduction <minimumf>, %select_n3A_260, %reduce_min3A_261 [1] : vector<256x2048xf32> to vector<256xf32>
    %broadcast_in_dim3A_263 = vector.shape_cast %reduce_min3A_262 : vector<256xf32> to vector<256x1xf32>
    %eq3A_264 = vector.broadcast %broadcast_in_dim3A_263 : vector<256x1xf32> to vector<256x2048xf32>
    %eq3A_265 = arith.cmpf oeq, %select_n3A_260, %eq3A_264 : vector<256x2048xf32>
    %jit3A_266 = arith.constant 2.048000e+03 : f32
    %broadcast_in_dim3A_267 = vector.broadcast %jit3A_266 : f32 to vector<256x2048xf32>
    %select_n3A_268 = arith.select %eq3A_265, %convert_element_type3A, %broadcast_in_dim3A_267 : vector<256x2048xi1>, vector<256x2048xf32>
    %reduce_min3A_269 = arith.constant dense<0x7F800000> : vector<256xf32>
    %reduce_min3A_270 = vector.multi_reduction <minimumf>, %select_n3A_268, %reduce_min3A_269 [1] : vector<256x2048xf32> to vector<256xf32>
    %broadcast_in_dim3A_271 = vector.shape_cast %reduce_min3A_270 : vector<256xf32> to vector<256x1xf32>
    %eq3A_272 = vector.broadcast %broadcast_in_dim3A_271 : vector<256x1xf32> to vector<256x2048xf32>
    %eq3A_273 = arith.cmpf oeq, %convert_element_type3A, %eq3A_272 : vector<256x2048xf32>
    %jit3A_274 = arith.constant 0x7F800000 : f32
    %broadcast_in_dim3A_275 = vector.broadcast %jit3A_274 : f32 to vector<256x2048xf32>
    %select_n3A_276 = arith.select %eq3A_273, %broadcast_in_dim3A_275, %select_n3A_260 : vector<256x2048xi1>, vector<256x2048xf32>
    %reduce_min3A_277 = arith.constant dense<0x7F800000> : vector<256xf32>
    %reduce_min3A_278 = vector.multi_reduction <minimumf>, %select_n3A_276, %reduce_min3A_277 [1] : vector<256x2048xf32> to vector<256xf32>
    %broadcast_in_dim3A_279 = vector.shape_cast %reduce_min3A_278 : vector<256xf32> to vector<256x1xf32>
    %eq3A_280 = vector.broadcast %broadcast_in_dim3A_279 : vector<256x1xf32> to vector<256x2048xf32>
    %eq3A_281 = arith.cmpf oeq, %select_n3A_276, %eq3A_280 : vector<256x2048xf32>
    %jit3A_282 = arith.constant 2.048000e+03 : f32
    %broadcast_in_dim3A_283 = vector.broadcast %jit3A_282 : f32 to vector<256x2048xf32>
    %select_n3A_284 = arith.select %eq3A_281, %convert_element_type3A, %broadcast_in_dim3A_283 : vector<256x2048xi1>, vector<256x2048xf32>
    %reduce_min3A_285 = arith.constant dense<0x7F800000> : vector<256xf32>
    %reduce_min3A_286 = vector.multi_reduction <minimumf>, %select_n3A_284, %reduce_min3A_285 [1] : vector<256x2048xf32> to vector<256xf32>
    %broadcast_in_dim3A_287 = vector.shape_cast %reduce_min3A_286 : vector<256xf32> to vector<256x1xf32>
    %eq3A_288 = vector.broadcast %broadcast_in_dim3A_287 : vector<256x1xf32> to vector<256x2048xf32>
    %eq3A_289 = arith.cmpf oeq, %convert_element_type3A, %eq3A_288 : vector<256x2048xf32>
    %jit3A_290 = arith.constant 0x7F800000 : f32
    %broadcast_in_dim3A_291 = vector.broadcast %jit3A_290 : f32 to vector<256x2048xf32>
    %select_n3A_292 = arith.select %eq3A_289, %broadcast_in_dim3A_291, %select_n3A_276 : vector<256x2048xi1>, vector<256x2048xf32>
    %reduce_min3A_293 = arith.constant dense<0x7F800000> : vector<256xf32>
    %reduce_min3A_294 = vector.multi_reduction <minimumf>, %select_n3A_292, %reduce_min3A_293 [1] : vector<256x2048xf32> to vector<256xf32>
    %broadcast_in_dim3A_295 = vector.shape_cast %reduce_min3A_294 : vector<256xf32> to vector<256x1xf32>
    %eq3A_296 = vector.broadcast %broadcast_in_dim3A_295 : vector<256x1xf32> to vector<256x2048xf32>
    %eq3A_297 = arith.cmpf oeq, %select_n3A_292, %eq3A_296 : vector<256x2048xf32>
    %jit3A_298 = arith.constant 2.048000e+03 : f32
    %broadcast_in_dim3A_299 = vector.broadcast %jit3A_298 : f32 to vector<256x2048xf32>
    %select_n3A_300 = arith.select %eq3A_297, %convert_element_type3A, %broadcast_in_dim3A_299 : vector<256x2048xi1>, vector<256x2048xf32>
    %reduce_min3A_301 = arith.constant dense<0x7F800000> : vector<256xf32>
    %reduce_min3A_302 = vector.multi_reduction <minimumf>, %select_n3A_300, %reduce_min3A_301 [1] : vector<256x2048xf32> to vector<256xf32>
    %broadcast_in_dim3A_303 = vector.shape_cast %reduce_min3A_302 : vector<256xf32> to vector<256x1xf32>
    %eq3A_304 = vector.broadcast %broadcast_in_dim3A_303 : vector<256x1xf32> to vector<256x2048xf32>
    %eq3A_305 = arith.cmpf oeq, %convert_element_type3A, %eq3A_304 : vector<256x2048xf32>
    %jit3A_306 = arith.constant 0x7F800000 : f32
    %broadcast_in_dim3A_307 = vector.broadcast %jit3A_306 : f32 to vector<256x2048xf32>
    %select_n3A_308 = arith.select %eq3A_305, %broadcast_in_dim3A_307, %select_n3A_292 : vector<256x2048xi1>, vector<256x2048xf32>
    %reduce_min3A_309 = arith.constant dense<0x7F800000> : vector<256xf32>
    %reduce_min3A_310 = vector.multi_reduction <minimumf>, %select_n3A_308, %reduce_min3A_309 [1] : vector<256x2048xf32> to vector<256xf32>
    %broadcast_in_dim3A_311 = vector.shape_cast %reduce_min3A_310 : vector<256xf32> to vector<256x1xf32>
    %eq3A_312 = vector.broadcast %broadcast_in_dim3A_311 : vector<256x1xf32> to vector<256x2048xf32>
    %eq3A_313 = arith.cmpf oeq, %select_n3A_308, %eq3A_312 : vector<256x2048xf32>
    %jit3A_314 = arith.constant 2.048000e+03 : f32
    %broadcast_in_dim3A_315 = vector.broadcast %jit3A_314 : f32 to vector<256x2048xf32>
    %select_n3A_316 = arith.select %eq3A_313, %convert_element_type3A, %broadcast_in_dim3A_315 : vector<256x2048xi1>, vector<256x2048xf32>
    %reduce_min3A_317 = arith.constant dense<0x7F800000> : vector<256xf32>
    %reduce_min3A_318 = vector.multi_reduction <minimumf>, %select_n3A_316, %reduce_min3A_317 [1] : vector<256x2048xf32> to vector<256xf32>
    %broadcast_in_dim3A_319 = vector.shape_cast %reduce_min3A_318 : vector<256xf32> to vector<256x1xf32>
    %eq3A_320 = vector.broadcast %broadcast_in_dim3A_319 : vector<256x1xf32> to vector<256x2048xf32>
    %eq3A_321 = arith.cmpf oeq, %convert_element_type3A, %eq3A_320 : vector<256x2048xf32>
    %jit3A_322 = arith.constant 0x7F800000 : f32
    %broadcast_in_dim3A_323 = vector.broadcast %jit3A_322 : f32 to vector<256x2048xf32>
    %select_n3A_324 = arith.select %eq3A_321, %broadcast_in_dim3A_323, %select_n3A_308 : vector<256x2048xi1>, vector<256x2048xf32>
    %reduce_min3A_325 = arith.constant dense<0x7F800000> : vector<256xf32>
    %reduce_min3A_326 = vector.multi_reduction <minimumf>, %select_n3A_324, %reduce_min3A_325 [1] : vector<256x2048xf32> to vector<256xf32>
    %broadcast_in_dim3A_327 = vector.shape_cast %reduce_min3A_326 : vector<256xf32> to vector<256x1xf32>
    %eq3A_328 = vector.broadcast %broadcast_in_dim3A_327 : vector<256x1xf32> to vector<256x2048xf32>
    %eq3A_329 = arith.cmpf oeq, %select_n3A_324, %eq3A_328 : vector<256x2048xf32>
    %jit3A_330 = arith.constant 2.048000e+03 : f32
    %broadcast_in_dim3A_331 = vector.broadcast %jit3A_330 : f32 to vector<256x2048xf32>
    %select_n3A_332 = arith.select %eq3A_329, %convert_element_type3A, %broadcast_in_dim3A_331 : vector<256x2048xi1>, vector<256x2048xf32>
    %reduce_min3A_333 = arith.constant dense<0x7F800000> : vector<256xf32>
    %reduce_min3A_334 = vector.multi_reduction <minimumf>, %select_n3A_332, %reduce_min3A_333 [1] : vector<256x2048xf32> to vector<256xf32>
    %broadcast_in_dim3A_335 = vector.shape_cast %reduce_min3A_334 : vector<256xf32> to vector<256x1xf32>
    %eq3A_336 = vector.broadcast %broadcast_in_dim3A_335 : vector<256x1xf32> to vector<256x2048xf32>
    %eq3A_337 = arith.cmpf oeq, %convert_element_type3A, %eq3A_336 : vector<256x2048xf32>
    %jit3A_338 = arith.constant 0x7F800000 : f32
    %broadcast_in_dim3A_339 = vector.broadcast %jit3A_338 : f32 to vector<256x2048xf32>
    %select_n3A_340 = arith.select %eq3A_337, %broadcast_in_dim3A_339, %select_n3A_324 : vector<256x2048xi1>, vector<256x2048xf32>
    %reduce_min3A_341 = arith.constant dense<0x7F800000> : vector<256xf32>
    %reduce_min3A_342 = vector.multi_reduction <minimumf>, %select_n3A_340, %reduce_min3A_341 [1] : vector<256x2048xf32> to vector<256xf32>
    %broadcast_in_dim3A_343 = vector.shape_cast %reduce_min3A_342 : vector<256xf32> to vector<256x1xf32>
    %eq3A_344 = vector.broadcast %broadcast_in_dim3A_343 : vector<256x1xf32> to vector<256x2048xf32>
    %eq3A_345 = arith.cmpf oeq, %select_n3A_340, %eq3A_344 : vector<256x2048xf32>
    %jit3A_346 = arith.constant 2.048000e+03 : f32
    %broadcast_in_dim3A_347 = vector.broadcast %jit3A_346 : f32 to vector<256x2048xf32>
    %select_n3A_348 = arith.select %eq3A_345, %convert_element_type3A, %broadcast_in_dim3A_347 : vector<256x2048xi1>, vector<256x2048xf32>
    %reduce_min3A_349 = arith.constant dense<0x7F800000> : vector<256xf32>
    %reduce_min3A_350 = vector.multi_reduction <minimumf>, %select_n3A_348, %reduce_min3A_349 [1] : vector<256x2048xf32> to vector<256xf32>
    %broadcast_in_dim3A_351 = vector.shape_cast %reduce_min3A_350 : vector<256xf32> to vector<256x1xf32>
    %eq3A_352 = vector.broadcast %broadcast_in_dim3A_351 : vector<256x1xf32> to vector<256x2048xf32>
    %eq3A_353 = arith.cmpf oeq, %convert_element_type3A, %eq3A_352 : vector<256x2048xf32>
    %jit3A_354 = arith.constant 0x7F800000 : f32
    %broadcast_in_dim3A_355 = vector.broadcast %jit3A_354 : f32 to vector<256x2048xf32>
    %select_n3A_356 = arith.select %eq3A_353, %broadcast_in_dim3A_355, %select_n3A_340 : vector<256x2048xi1>, vector<256x2048xf32>
    %reduce_min3A_357 = arith.constant dense<0x7F800000> : vector<256xf32>
    %reduce_min3A_358 = vector.multi_reduction <minimumf>, %select_n3A_356, %reduce_min3A_357 [1] : vector<256x2048xf32> to vector<256xf32>
    %broadcast_in_dim3A_359 = vector.shape_cast %reduce_min3A_358 : vector<256xf32> to vector<256x1xf32>
    %eq3A_360 = vector.broadcast %broadcast_in_dim3A_359 : vector<256x1xf32> to vector<256x2048xf32>
    %eq3A_361 = arith.cmpf oeq, %select_n3A_356, %eq3A_360 : vector<256x2048xf32>
    %jit3A_362 = arith.constant 2.048000e+03 : f32
    %broadcast_in_dim3A_363 = vector.broadcast %jit3A_362 : f32 to vector<256x2048xf32>
    %select_n3A_364 = arith.select %eq3A_361, %convert_element_type3A, %broadcast_in_dim3A_363 : vector<256x2048xi1>, vector<256x2048xf32>
    %reduce_min3A_365 = arith.constant dense<0x7F800000> : vector<256xf32>
    %reduce_min3A_366 = vector.multi_reduction <minimumf>, %select_n3A_364, %reduce_min3A_365 [1] : vector<256x2048xf32> to vector<256xf32>
    %broadcast_in_dim3A_367 = vector.shape_cast %reduce_min3A_366 : vector<256xf32> to vector<256x1xf32>
    %eq3A_368 = vector.broadcast %broadcast_in_dim3A_367 : vector<256x1xf32> to vector<256x2048xf32>
    %eq3A_369 = arith.cmpf oeq, %convert_element_type3A, %eq3A_368 : vector<256x2048xf32>
    %jit3A_370 = arith.constant 0x7F800000 : f32
    %broadcast_in_dim3A_371 = vector.broadcast %jit3A_370 : f32 to vector<256x2048xf32>
    %select_n3A_372 = arith.select %eq3A_369, %broadcast_in_dim3A_371, %select_n3A_356 : vector<256x2048xi1>, vector<256x2048xf32>
    %reduce_min3A_373 = arith.constant dense<0x7F800000> : vector<256xf32>
    %reduce_min3A_374 = vector.multi_reduction <minimumf>, %select_n3A_372, %reduce_min3A_373 [1] : vector<256x2048xf32> to vector<256xf32>
    %broadcast_in_dim3A_375 = vector.shape_cast %reduce_min3A_374 : vector<256xf32> to vector<256x1xf32>
    %eq3A_376 = vector.broadcast %broadcast_in_dim3A_375 : vector<256x1xf32> to vector<256x2048xf32>
    %eq3A_377 = arith.cmpf oeq, %select_n3A_372, %eq3A_376 : vector<256x2048xf32>
    %jit3A_378 = arith.constant 2.048000e+03 : f32
    %broadcast_in_dim3A_379 = vector.broadcast %jit3A_378 : f32 to vector<256x2048xf32>
    %select_n3A_380 = arith.select %eq3A_377, %convert_element_type3A, %broadcast_in_dim3A_379 : vector<256x2048xi1>, vector<256x2048xf32>
    %reduce_min3A_381 = arith.constant dense<0x7F800000> : vector<256xf32>
    %reduce_min3A_382 = vector.multi_reduction <minimumf>, %select_n3A_380, %reduce_min3A_381 [1] : vector<256x2048xf32> to vector<256xf32>
    %broadcast_in_dim3A_383 = vector.shape_cast %reduce_min3A_382 : vector<256xf32> to vector<256x1xf32>
    %eq3A_384 = vector.broadcast %broadcast_in_dim3A_383 : vector<256x1xf32> to vector<256x2048xf32>
    %eq3A_385 = arith.cmpf oeq, %convert_element_type3A, %eq3A_384 : vector<256x2048xf32>
    %jit3A_386 = arith.constant 0x7F800000 : f32
    %broadcast_in_dim3A_387 = vector.broadcast %jit3A_386 : f32 to vector<256x2048xf32>
    %select_n3A_388 = arith.select %eq3A_385, %broadcast_in_dim3A_387, %select_n3A_372 : vector<256x2048xi1>, vector<256x2048xf32>
    %reduce_min3A_389 = arith.constant dense<0x7F800000> : vector<256xf32>
    %reduce_min3A_390 = vector.multi_reduction <minimumf>, %select_n3A_388, %reduce_min3A_389 [1] : vector<256x2048xf32> to vector<256xf32>
    %broadcast_in_dim3A_391 = vector.shape_cast %reduce_min3A_390 : vector<256xf32> to vector<256x1xf32>
    %eq3A_392 = vector.broadcast %broadcast_in_dim3A_391 : vector<256x1xf32> to vector<256x2048xf32>
    %eq3A_393 = arith.cmpf oeq, %select_n3A_388, %eq3A_392 : vector<256x2048xf32>
    %jit3A_394 = arith.constant 2.048000e+03 : f32
    %broadcast_in_dim3A_395 = vector.broadcast %jit3A_394 : f32 to vector<256x2048xf32>
    %select_n3A_396 = arith.select %eq3A_393, %convert_element_type3A, %broadcast_in_dim3A_395 : vector<256x2048xi1>, vector<256x2048xf32>
    %reduce_min3A_397 = arith.constant dense<0x7F800000> : vector<256xf32>
    %reduce_min3A_398 = vector.multi_reduction <minimumf>, %select_n3A_396, %reduce_min3A_397 [1] : vector<256x2048xf32> to vector<256xf32>
    %broadcast_in_dim3A_399 = vector.shape_cast %reduce_min3A_398 : vector<256xf32> to vector<256x1xf32>
    %eq3A_400 = vector.broadcast %broadcast_in_dim3A_399 : vector<256x1xf32> to vector<256x2048xf32>
    %eq3A_401 = arith.cmpf oeq, %convert_element_type3A, %eq3A_400 : vector<256x2048xf32>
    %jit3A_402 = arith.constant 0x7F800000 : f32
    %broadcast_in_dim3A_403 = vector.broadcast %jit3A_402 : f32 to vector<256x2048xf32>
    %select_n3A_404 = arith.select %eq3A_401, %broadcast_in_dim3A_403, %select_n3A_388 : vector<256x2048xi1>, vector<256x2048xf32>
    %reduce_min3A_405 = arith.constant dense<0x7F800000> : vector<256xf32>
    %reduce_min3A_406 = vector.multi_reduction <minimumf>, %select_n3A_404, %reduce_min3A_405 [1] : vector<256x2048xf32> to vector<256xf32>
    %broadcast_in_dim3A_407 = vector.shape_cast %reduce_min3A_406 : vector<256xf32> to vector<256x1xf32>
    %eq3A_408 = vector.broadcast %broadcast_in_dim3A_407 : vector<256x1xf32> to vector<256x2048xf32>
    %eq3A_409 = arith.cmpf oeq, %select_n3A_404, %eq3A_408 : vector<256x2048xf32>
    %jit3A_410 = arith.constant 2.048000e+03 : f32
    %broadcast_in_dim3A_411 = vector.broadcast %jit3A_410 : f32 to vector<256x2048xf32>
    %select_n3A_412 = arith.select %eq3A_409, %convert_element_type3A, %broadcast_in_dim3A_411 : vector<256x2048xi1>, vector<256x2048xf32>
    %reduce_min3A_413 = arith.constant dense<0x7F800000> : vector<256xf32>
    %reduce_min3A_414 = vector.multi_reduction <minimumf>, %select_n3A_412, %reduce_min3A_413 [1] : vector<256x2048xf32> to vector<256xf32>
    %broadcast_in_dim3A_415 = vector.shape_cast %reduce_min3A_414 : vector<256xf32> to vector<256x1xf32>
    %eq3A_416 = vector.broadcast %broadcast_in_dim3A_415 : vector<256x1xf32> to vector<256x2048xf32>
    %eq3A_417 = arith.cmpf oeq, %convert_element_type3A, %eq3A_416 : vector<256x2048xf32>
    %jit3A_418 = arith.constant 0x7F800000 : f32
    %broadcast_in_dim3A_419 = vector.broadcast %jit3A_418 : f32 to vector<256x2048xf32>
    %select_n3A_420 = arith.select %eq3A_417, %broadcast_in_dim3A_419, %select_n3A_404 : vector<256x2048xi1>, vector<256x2048xf32>
    %reduce_min3A_421 = arith.constant dense<0x7F800000> : vector<256xf32>
    %reduce_min3A_422 = vector.multi_reduction <minimumf>, %select_n3A_420, %reduce_min3A_421 [1] : vector<256x2048xf32> to vector<256xf32>
    %broadcast_in_dim3A_423 = vector.shape_cast %reduce_min3A_422 : vector<256xf32> to vector<256x1xf32>
    %eq3A_424 = vector.broadcast %broadcast_in_dim3A_423 : vector<256x1xf32> to vector<256x2048xf32>
    %eq3A_425 = arith.cmpf oeq, %select_n3A_420, %eq3A_424 : vector<256x2048xf32>
    %jit3A_426 = arith.constant 2.048000e+03 : f32
    %broadcast_in_dim3A_427 = vector.broadcast %jit3A_426 : f32 to vector<256x2048xf32>
    %select_n3A_428 = arith.select %eq3A_425, %convert_element_type3A, %broadcast_in_dim3A_427 : vector<256x2048xi1>, vector<256x2048xf32>
    %reduce_min3A_429 = arith.constant dense<0x7F800000> : vector<256xf32>
    %reduce_min3A_430 = vector.multi_reduction <minimumf>, %select_n3A_428, %reduce_min3A_429 [1] : vector<256x2048xf32> to vector<256xf32>
    %broadcast_in_dim3A_431 = vector.shape_cast %reduce_min3A_430 : vector<256xf32> to vector<256x1xf32>
    %eq3A_432 = vector.broadcast %broadcast_in_dim3A_431 : vector<256x1xf32> to vector<256x2048xf32>
    %eq3A_433 = arith.cmpf oeq, %convert_element_type3A, %eq3A_432 : vector<256x2048xf32>
    %jit3A_434 = arith.constant 0x7F800000 : f32
    %broadcast_in_dim3A_435 = vector.broadcast %jit3A_434 : f32 to vector<256x2048xf32>
    %select_n3A_436 = arith.select %eq3A_433, %broadcast_in_dim3A_435, %select_n3A_420 : vector<256x2048xi1>, vector<256x2048xf32>
    %reduce_min3A_437 = arith.constant dense<0x7F800000> : vector<256xf32>
    %reduce_min3A_438 = vector.multi_reduction <minimumf>, %select_n3A_436, %reduce_min3A_437 [1] : vector<256x2048xf32> to vector<256xf32>
    %broadcast_in_dim3A_439 = vector.shape_cast %reduce_min3A_438 : vector<256xf32> to vector<256x1xf32>
    %eq3A_440 = vector.broadcast %broadcast_in_dim3A_439 : vector<256x1xf32> to vector<256x2048xf32>
    %eq3A_441 = arith.cmpf oeq, %select_n3A_436, %eq3A_440 : vector<256x2048xf32>
    %jit3A_442 = arith.constant 2.048000e+03 : f32
    %broadcast_in_dim3A_443 = vector.broadcast %jit3A_442 : f32 to vector<256x2048xf32>
    %select_n3A_444 = arith.select %eq3A_441, %convert_element_type3A, %broadcast_in_dim3A_443 : vector<256x2048xi1>, vector<256x2048xf32>
    %reduce_min3A_445 = arith.constant dense<0x7F800000> : vector<256xf32>
    %reduce_min3A_446 = vector.multi_reduction <minimumf>, %select_n3A_444, %reduce_min3A_445 [1] : vector<256x2048xf32> to vector<256xf32>
    %broadcast_in_dim3A_447 = vector.shape_cast %reduce_min3A_446 : vector<256xf32> to vector<256x1xf32>
    %eq3A_448 = vector.broadcast %broadcast_in_dim3A_447 : vector<256x1xf32> to vector<256x2048xf32>
    %eq3A_449 = arith.cmpf oeq, %convert_element_type3A, %eq3A_448 : vector<256x2048xf32>
    %jit3A_450 = arith.constant 0x7F800000 : f32
    %broadcast_in_dim3A_451 = vector.broadcast %jit3A_450 : f32 to vector<256x2048xf32>
    %select_n3A_452 = arith.select %eq3A_449, %broadcast_in_dim3A_451, %select_n3A_436 : vector<256x2048xi1>, vector<256x2048xf32>
    %reduce_min3A_453 = arith.constant dense<0x7F800000> : vector<256xf32>
    %reduce_min3A_454 = vector.multi_reduction <minimumf>, %select_n3A_452, %reduce_min3A_453 [1] : vector<256x2048xf32> to vector<256xf32>
    %broadcast_in_dim3A_455 = vector.shape_cast %reduce_min3A_454 : vector<256xf32> to vector<256x1xf32>
    %eq3A_456 = vector.broadcast %broadcast_in_dim3A_455 : vector<256x1xf32> to vector<256x2048xf32>
    %eq3A_457 = arith.cmpf oeq, %select_n3A_452, %eq3A_456 : vector<256x2048xf32>
    %jit3A_458 = arith.constant 2.048000e+03 : f32
    %broadcast_in_dim3A_459 = vector.broadcast %jit3A_458 : f32 to vector<256x2048xf32>
    %select_n3A_460 = arith.select %eq3A_457, %convert_element_type3A, %broadcast_in_dim3A_459 : vector<256x2048xi1>, vector<256x2048xf32>
    %reduce_min3A_461 = arith.constant dense<0x7F800000> : vector<256xf32>
    %reduce_min3A_462 = vector.multi_reduction <minimumf>, %select_n3A_460, %reduce_min3A_461 [1] : vector<256x2048xf32> to vector<256xf32>
    %broadcast_in_dim3A_463 = vector.shape_cast %reduce_min3A_462 : vector<256xf32> to vector<256x1xf32>
    %eq3A_464 = vector.broadcast %broadcast_in_dim3A_463 : vector<256x1xf32> to vector<256x2048xf32>
    %eq3A_465 = arith.cmpf oeq, %convert_element_type3A, %eq3A_464 : vector<256x2048xf32>
    %jit3A_466 = arith.constant 0x7F800000 : f32
    %broadcast_in_dim3A_467 = vector.broadcast %jit3A_466 : f32 to vector<256x2048xf32>
    %select_n3A_468 = arith.select %eq3A_465, %broadcast_in_dim3A_467, %select_n3A_452 : vector<256x2048xi1>, vector<256x2048xf32>
    %reduce_min3A_469 = arith.constant dense<0x7F800000> : vector<256xf32>
    %reduce_min3A_470 = vector.multi_reduction <minimumf>, %select_n3A_468, %reduce_min3A_469 [1] : vector<256x2048xf32> to vector<256xf32>
    %broadcast_in_dim3A_471 = vector.shape_cast %reduce_min3A_470 : vector<256xf32> to vector<256x1xf32>
    %eq3A_472 = vector.broadcast %broadcast_in_dim3A_471 : vector<256x1xf32> to vector<256x2048xf32>
    %eq3A_473 = arith.cmpf oeq, %select_n3A_468, %eq3A_472 : vector<256x2048xf32>
    %jit3A_474 = arith.constant 2.048000e+03 : f32
    %broadcast_in_dim3A_475 = vector.broadcast %jit3A_474 : f32 to vector<256x2048xf32>
    %select_n3A_476 = arith.select %eq3A_473, %convert_element_type3A, %broadcast_in_dim3A_475 : vector<256x2048xi1>, vector<256x2048xf32>
    %reduce_min3A_477 = arith.constant dense<0x7F800000> : vector<256xf32>
    %reduce_min3A_478 = vector.multi_reduction <minimumf>, %select_n3A_476, %reduce_min3A_477 [1] : vector<256x2048xf32> to vector<256xf32>
    %broadcast_in_dim3A_479 = vector.shape_cast %reduce_min3A_478 : vector<256xf32> to vector<256x1xf32>
    %eq3A_480 = vector.broadcast %broadcast_in_dim3A_479 : vector<256x1xf32> to vector<256x2048xf32>
    %eq3A_481 = arith.cmpf oeq, %convert_element_type3A, %eq3A_480 : vector<256x2048xf32>
    %jit3A_482 = arith.constant 0x7F800000 : f32
    %broadcast_in_dim3A_483 = vector.broadcast %jit3A_482 : f32 to vector<256x2048xf32>
    %select_n3A_484 = arith.select %eq3A_481, %broadcast_in_dim3A_483, %select_n3A_468 : vector<256x2048xi1>, vector<256x2048xf32>
    %reduce_min3A_485 = arith.constant dense<0x7F800000> : vector<256xf32>
    %reduce_min3A_486 = vector.multi_reduction <minimumf>, %select_n3A_484, %reduce_min3A_485 [1] : vector<256x2048xf32> to vector<256xf32>
    %broadcast_in_dim3A_487 = vector.shape_cast %reduce_min3A_486 : vector<256xf32> to vector<256x1xf32>
    %eq3A_488 = vector.broadcast %broadcast_in_dim3A_487 : vector<256x1xf32> to vector<256x2048xf32>
    %eq3A_489 = arith.cmpf oeq, %select_n3A_484, %eq3A_488 : vector<256x2048xf32>
    %jit3A_490 = arith.constant 2.048000e+03 : f32
    %broadcast_in_dim3A_491 = vector.broadcast %jit3A_490 : f32 to vector<256x2048xf32>
    %select_n3A_492 = arith.select %eq3A_489, %convert_element_type3A, %broadcast_in_dim3A_491 : vector<256x2048xi1>, vector<256x2048xf32>
    %reduce_min3A_493 = arith.constant dense<0x7F800000> : vector<256xf32>
    %reduce_min3A_494 = vector.multi_reduction <minimumf>, %select_n3A_492, %reduce_min3A_493 [1] : vector<256x2048xf32> to vector<256xf32>
    %broadcast_in_dim3A_495 = vector.shape_cast %reduce_min3A_494 : vector<256xf32> to vector<256x1xf32>
    %eq3A_496 = vector.broadcast %broadcast_in_dim3A_495 : vector<256x1xf32> to vector<256x2048xf32>
    %eq3A_497 = arith.cmpf oeq, %convert_element_type3A, %eq3A_496 : vector<256x2048xf32>
    %jit3A_498 = arith.constant 0x7F800000 : f32
    %broadcast_in_dim3A_499 = vector.broadcast %jit3A_498 : f32 to vector<256x2048xf32>
    %select_n3A_500 = arith.select %eq3A_497, %broadcast_in_dim3A_499, %select_n3A_484 : vector<256x2048xi1>, vector<256x2048xf32>
    %reduce_min3A_501 = arith.constant dense<0x7F800000> : vector<256xf32>
    %reduce_min3A_502 = vector.multi_reduction <minimumf>, %select_n3A_500, %reduce_min3A_501 [1] : vector<256x2048xf32> to vector<256xf32>
    %broadcast_in_dim3A_503 = vector.shape_cast %reduce_min3A_502 : vector<256xf32> to vector<256x1xf32>
    %eq3A_504 = vector.broadcast %broadcast_in_dim3A_503 : vector<256x1xf32> to vector<256x2048xf32>
    %eq3A_505 = arith.cmpf oeq, %select_n3A_500, %eq3A_504 : vector<256x2048xf32>
    %jit3A_506 = arith.constant 2.048000e+03 : f32
    %broadcast_in_dim3A_507 = vector.broadcast %jit3A_506 : f32 to vector<256x2048xf32>
    %select_n3A_508 = arith.select %eq3A_505, %convert_element_type3A, %broadcast_in_dim3A_507 : vector<256x2048xi1>, vector<256x2048xf32>
    %reduce_min3A_509 = arith.constant dense<0x7F800000> : vector<256xf32>
    %reduce_min3A_510 = vector.multi_reduction <minimumf>, %select_n3A_508, %reduce_min3A_509 [1] : vector<256x2048xf32> to vector<256xf32>
    %broadcast_in_dim3A_511 = vector.shape_cast %reduce_min3A_510 : vector<256xf32> to vector<256x1xf32>
    %eq3A_512 = vector.broadcast %broadcast_in_dim3A_511 : vector<256x1xf32> to vector<256x2048xf32>
    %eq3A_513 = arith.cmpf oeq, %convert_element_type3A, %eq3A_512 : vector<256x2048xf32>
    %jit3A_514 = arith.constant 0x7F800000 : f32
    %broadcast_in_dim3A_515 = vector.broadcast %jit3A_514 : f32 to vector<256x2048xf32>
    %select_n3A_516 = arith.select %eq3A_513, %broadcast_in_dim3A_515, %select_n3A_500 : vector<256x2048xi1>, vector<256x2048xf32>
    %reduce_min3A_517 = arith.constant dense<0x7F800000> : vector<256xf32>
    %reduce_min3A_518 = vector.multi_reduction <minimumf>, %select_n3A_516, %reduce_min3A_517 [1] : vector<256x2048xf32> to vector<256xf32>
    %broadcast_in_dim3A_519 = vector.shape_cast %reduce_min3A_518 : vector<256xf32> to vector<256x1xf32>
    %eq3A_520 = vector.broadcast %broadcast_in_dim3A_519 : vector<256x1xf32> to vector<256x2048xf32>
    %eq3A_521 = arith.cmpf oeq, %select_n3A_516, %eq3A_520 : vector<256x2048xf32>
    %jit3A_522 = arith.constant 2.048000e+03 : f32
    %broadcast_in_dim3A_523 = vector.broadcast %jit3A_522 : f32 to vector<256x2048xf32>
    %select_n3A_524 = arith.select %eq3A_521, %convert_element_type3A, %broadcast_in_dim3A_523 : vector<256x2048xi1>, vector<256x2048xf32>
    %reduce_min3A_525 = arith.constant dense<0x7F800000> : vector<256xf32>
    %reduce_min3A_526 = vector.multi_reduction <minimumf>, %select_n3A_524, %reduce_min3A_525 [1] : vector<256x2048xf32> to vector<256xf32>
    %broadcast_in_dim3A_527 = vector.shape_cast %reduce_min3A_526 : vector<256xf32> to vector<256x1xf32>
    %eq3A_528 = vector.broadcast %broadcast_in_dim3A_527 : vector<256x1xf32> to vector<256x2048xf32>
    %eq3A_529 = arith.cmpf oeq, %convert_element_type3A, %eq3A_528 : vector<256x2048xf32>
    %jit3A_530 = arith.constant 0x7F800000 : f32
    %broadcast_in_dim3A_531 = vector.broadcast %jit3A_530 : f32 to vector<256x2048xf32>
    %select_n3A_532 = arith.select %eq3A_529, %broadcast_in_dim3A_531, %select_n3A_516 : vector<256x2048xi1>, vector<256x2048xf32>
    %reduce_min3A_533 = arith.constant dense<0x7F800000> : vector<256xf32>
    %reduce_min3A_534 = vector.multi_reduction <minimumf>, %select_n3A_532, %reduce_min3A_533 [1] : vector<256x2048xf32> to vector<256xf32>
    %broadcast_in_dim3A_535 = vector.shape_cast %reduce_min3A_534 : vector<256xf32> to vector<256x1xf32>
    %eq3A_536 = vector.broadcast %broadcast_in_dim3A_535 : vector<256x1xf32> to vector<256x2048xf32>
    %eq3A_537 = arith.cmpf oeq, %select_n3A_532, %eq3A_536 : vector<256x2048xf32>
    %jit3A_538 = arith.constant 2.048000e+03 : f32
    %broadcast_in_dim3A_539 = vector.broadcast %jit3A_538 : f32 to vector<256x2048xf32>
    %select_n3A_540 = arith.select %eq3A_537, %convert_element_type3A, %broadcast_in_dim3A_539 : vector<256x2048xi1>, vector<256x2048xf32>
    %reduce_min3A_541 = arith.constant dense<0x7F800000> : vector<256xf32>
    %reduce_min3A_542 = vector.multi_reduction <minimumf>, %select_n3A_540, %reduce_min3A_541 [1] : vector<256x2048xf32> to vector<256xf32>
    %broadcast_in_dim3A_543 = vector.shape_cast %reduce_min3A_542 : vector<256xf32> to vector<256x1xf32>
    %eq3A_544 = vector.broadcast %broadcast_in_dim3A_543 : vector<256x1xf32> to vector<256x2048xf32>
    %eq3A_545 = arith.cmpf oeq, %convert_element_type3A, %eq3A_544 : vector<256x2048xf32>
    %jit3A_546 = arith.constant 0x7F800000 : f32
    %broadcast_in_dim3A_547 = vector.broadcast %jit3A_546 : f32 to vector<256x2048xf32>
    %select_n3A_548 = arith.select %eq3A_545, %broadcast_in_dim3A_547, %select_n3A_532 : vector<256x2048xi1>, vector<256x2048xf32>
    %reduce_min3A_549 = arith.constant dense<0x7F800000> : vector<256xf32>
    %reduce_min3A_550 = vector.multi_reduction <minimumf>, %select_n3A_548, %reduce_min3A_549 [1] : vector<256x2048xf32> to vector<256xf32>
    %broadcast_in_dim3A_551 = vector.shape_cast %reduce_min3A_550 : vector<256xf32> to vector<256x1xf32>
    %eq3A_552 = vector.broadcast %broadcast_in_dim3A_551 : vector<256x1xf32> to vector<256x2048xf32>
    %eq3A_553 = arith.cmpf oeq, %select_n3A_548, %eq3A_552 : vector<256x2048xf32>
    %jit3A_554 = arith.constant 2.048000e+03 : f32
    %broadcast_in_dim3A_555 = vector.broadcast %jit3A_554 : f32 to vector<256x2048xf32>
    %select_n3A_556 = arith.select %eq3A_553, %convert_element_type3A, %broadcast_in_dim3A_555 : vector<256x2048xi1>, vector<256x2048xf32>
    %reduce_min3A_557 = arith.constant dense<0x7F800000> : vector<256xf32>
    %reduce_min3A_558 = vector.multi_reduction <minimumf>, %select_n3A_556, %reduce_min3A_557 [1] : vector<256x2048xf32> to vector<256xf32>
    %broadcast_in_dim3A_559 = vector.shape_cast %reduce_min3A_558 : vector<256xf32> to vector<256x1xf32>
    %eq3A_560 = vector.broadcast %broadcast_in_dim3A_559 : vector<256x1xf32> to vector<256x2048xf32>
    %eq3A_561 = arith.cmpf oeq, %convert_element_type3A, %eq3A_560 : vector<256x2048xf32>
    %jit3A_562 = arith.constant 0x7F800000 : f32
    %broadcast_in_dim3A_563 = vector.broadcast %jit3A_562 : f32 to vector<256x2048xf32>
    %select_n3A_564 = arith.select %eq3A_561, %broadcast_in_dim3A_563, %select_n3A_548 : vector<256x2048xi1>, vector<256x2048xf32>
    %reduce_min3A_565 = arith.constant dense<0x7F800000> : vector<256xf32>
    %reduce_min3A_566 = vector.multi_reduction <minimumf>, %select_n3A_564, %reduce_min3A_565 [1] : vector<256x2048xf32> to vector<256xf32>
    %broadcast_in_dim3A_567 = vector.shape_cast %reduce_min3A_566 : vector<256xf32> to vector<256x1xf32>
    %eq3A_568 = vector.broadcast %broadcast_in_dim3A_567 : vector<256x1xf32> to vector<256x2048xf32>
    %eq3A_569 = arith.cmpf oeq, %select_n3A_564, %eq3A_568 : vector<256x2048xf32>
    %jit3A_570 = arith.constant 2.048000e+03 : f32
    %broadcast_in_dim3A_571 = vector.broadcast %jit3A_570 : f32 to vector<256x2048xf32>
    %select_n3A_572 = arith.select %eq3A_569, %convert_element_type3A, %broadcast_in_dim3A_571 : vector<256x2048xi1>, vector<256x2048xf32>
    %reduce_min3A_573 = arith.constant dense<0x7F800000> : vector<256xf32>
    %reduce_min3A_574 = vector.multi_reduction <minimumf>, %select_n3A_572, %reduce_min3A_573 [1] : vector<256x2048xf32> to vector<256xf32>
    %broadcast_in_dim3A_575 = vector.shape_cast %reduce_min3A_574 : vector<256xf32> to vector<256x1xf32>
    %eq3A_576 = vector.broadcast %broadcast_in_dim3A_575 : vector<256x1xf32> to vector<256x2048xf32>
    %eq3A_577 = arith.cmpf oeq, %convert_element_type3A, %eq3A_576 : vector<256x2048xf32>
    %jit3A_578 = arith.constant 0x7F800000 : f32
    %broadcast_in_dim3A_579 = vector.broadcast %jit3A_578 : f32 to vector<256x2048xf32>
    %select_n3A_580 = arith.select %eq3A_577, %broadcast_in_dim3A_579, %select_n3A_564 : vector<256x2048xi1>, vector<256x2048xf32>
    %reduce_min3A_581 = arith.constant dense<0x7F800000> : vector<256xf32>
    %reduce_min3A_582 = vector.multi_reduction <minimumf>, %select_n3A_580, %reduce_min3A_581 [1] : vector<256x2048xf32> to vector<256xf32>
    %broadcast_in_dim3A_583 = vector.shape_cast %reduce_min3A_582 : vector<256xf32> to vector<256x1xf32>
    %eq3A_584 = vector.broadcast %broadcast_in_dim3A_583 : vector<256x1xf32> to vector<256x2048xf32>
    %eq3A_585 = arith.cmpf oeq, %select_n3A_580, %eq3A_584 : vector<256x2048xf32>
    %jit3A_586 = arith.constant 2.048000e+03 : f32
    %broadcast_in_dim3A_587 = vector.broadcast %jit3A_586 : f32 to vector<256x2048xf32>
    %select_n3A_588 = arith.select %eq3A_585, %convert_element_type3A, %broadcast_in_dim3A_587 : vector<256x2048xi1>, vector<256x2048xf32>
    %reduce_min3A_589 = arith.constant dense<0x7F800000> : vector<256xf32>
    %reduce_min3A_590 = vector.multi_reduction <minimumf>, %select_n3A_588, %reduce_min3A_589 [1] : vector<256x2048xf32> to vector<256xf32>
    %broadcast_in_dim3A_591 = vector.shape_cast %reduce_min3A_590 : vector<256xf32> to vector<256x1xf32>
    %eq3A_592 = vector.broadcast %broadcast_in_dim3A_591 : vector<256x1xf32> to vector<256x2048xf32>
    %eq3A_593 = arith.cmpf oeq, %convert_element_type3A, %eq3A_592 : vector<256x2048xf32>
    %jit3A_594 = arith.constant 0x7F800000 : f32
    %broadcast_in_dim3A_595 = vector.broadcast %jit3A_594 : f32 to vector<256x2048xf32>
    %select_n3A_596 = arith.select %eq3A_593, %broadcast_in_dim3A_595, %select_n3A_580 : vector<256x2048xi1>, vector<256x2048xf32>
    %reduce_min3A_597 = arith.constant dense<0x7F800000> : vector<256xf32>
    %reduce_min3A_598 = vector.multi_reduction <minimumf>, %select_n3A_596, %reduce_min3A_597 [1] : vector<256x2048xf32> to vector<256xf32>
    %broadcast_in_dim3A_599 = vector.shape_cast %reduce_min3A_598 : vector<256xf32> to vector<256x1xf32>
    %eq3A_600 = vector.broadcast %broadcast_in_dim3A_599 : vector<256x1xf32> to vector<256x2048xf32>
    %eq3A_601 = arith.cmpf oeq, %select_n3A_596, %eq3A_600 : vector<256x2048xf32>
    %jit3A_602 = arith.constant 2.048000e+03 : f32
    %broadcast_in_dim3A_603 = vector.broadcast %jit3A_602 : f32 to vector<256x2048xf32>
    %select_n3A_604 = arith.select %eq3A_601, %convert_element_type3A, %broadcast_in_dim3A_603 : vector<256x2048xi1>, vector<256x2048xf32>
    %reduce_min3A_605 = arith.constant dense<0x7F800000> : vector<256xf32>
    %reduce_min3A_606 = vector.multi_reduction <minimumf>, %select_n3A_604, %reduce_min3A_605 [1] : vector<256x2048xf32> to vector<256xf32>
    %broadcast_in_dim3A_607 = vector.shape_cast %reduce_min3A_606 : vector<256xf32> to vector<256x1xf32>
    %eq3A_608 = vector.broadcast %broadcast_in_dim3A_607 : vector<256x1xf32> to vector<256x2048xf32>
    %eq3A_609 = arith.cmpf oeq, %convert_element_type3A, %eq3A_608 : vector<256x2048xf32>
    %jit3A_610 = arith.constant 0x7F800000 : f32
    %broadcast_in_dim3A_611 = vector.broadcast %jit3A_610 : f32 to vector<256x2048xf32>
    %select_n3A_612 = arith.select %eq3A_609, %broadcast_in_dim3A_611, %select_n3A_596 : vector<256x2048xi1>, vector<256x2048xf32>
    %reduce_min3A_613 = arith.constant dense<0x7F800000> : vector<256xf32>
    %reduce_min3A_614 = vector.multi_reduction <minimumf>, %select_n3A_612, %reduce_min3A_613 [1] : vector<256x2048xf32> to vector<256xf32>
    %broadcast_in_dim3A_615 = vector.shape_cast %reduce_min3A_614 : vector<256xf32> to vector<256x1xf32>
    %eq3A_616 = vector.broadcast %broadcast_in_dim3A_615 : vector<256x1xf32> to vector<256x2048xf32>
    %eq3A_617 = arith.cmpf oeq, %select_n3A_612, %eq3A_616 : vector<256x2048xf32>
    %jit3A_618 = arith.constant 2.048000e+03 : f32
    %broadcast_in_dim3A_619 = vector.broadcast %jit3A_618 : f32 to vector<256x2048xf32>
    %select_n3A_620 = arith.select %eq3A_617, %convert_element_type3A, %broadcast_in_dim3A_619 : vector<256x2048xi1>, vector<256x2048xf32>
    %reduce_min3A_621 = arith.constant dense<0x7F800000> : vector<256xf32>
    %reduce_min3A_622 = vector.multi_reduction <minimumf>, %select_n3A_620, %reduce_min3A_621 [1] : vector<256x2048xf32> to vector<256xf32>
    %broadcast_in_dim3A_623 = vector.shape_cast %reduce_min3A_622 : vector<256xf32> to vector<256x1xf32>
    %eq3A_624 = vector.broadcast %broadcast_in_dim3A_623 : vector<256x1xf32> to vector<256x2048xf32>
    %eq3A_625 = arith.cmpf oeq, %convert_element_type3A, %eq3A_624 : vector<256x2048xf32>
    %jit3A_626 = arith.constant 0x7F800000 : f32
    %broadcast_in_dim3A_627 = vector.broadcast %jit3A_626 : f32 to vector<256x2048xf32>
    %select_n3A_628 = arith.select %eq3A_625, %broadcast_in_dim3A_627, %select_n3A_612 : vector<256x2048xi1>, vector<256x2048xf32>
    %reduce_min3A_629 = arith.constant dense<0x7F800000> : vector<256xf32>
    %reduce_min3A_630 = vector.multi_reduction <minimumf>, %select_n3A_628, %reduce_min3A_629 [1] : vector<256x2048xf32> to vector<256xf32>
    %broadcast_in_dim3A_631 = vector.shape_cast %reduce_min3A_630 : vector<256xf32> to vector<256x1xf32>
    %eq3A_632 = vector.broadcast %broadcast_in_dim3A_631 : vector<256x1xf32> to vector<256x2048xf32>
    %eq3A_633 = arith.cmpf oeq, %select_n3A_628, %eq3A_632 : vector<256x2048xf32>
    %jit3A_634 = arith.constant 2.048000e+03 : f32
    %broadcast_in_dim3A_635 = vector.broadcast %jit3A_634 : f32 to vector<256x2048xf32>
    %select_n3A_636 = arith.select %eq3A_633, %convert_element_type3A, %broadcast_in_dim3A_635 : vector<256x2048xi1>, vector<256x2048xf32>
    %reduce_min3A_637 = arith.constant dense<0x7F800000> : vector<256xf32>
    %reduce_min3A_638 = vector.multi_reduction <minimumf>, %select_n3A_636, %reduce_min3A_637 [1] : vector<256x2048xf32> to vector<256xf32>
    %broadcast_in_dim3A_639 = vector.shape_cast %reduce_min3A_638 : vector<256xf32> to vector<256x1xf32>
    %eq3A_640 = vector.broadcast %broadcast_in_dim3A_639 : vector<256x1xf32> to vector<256x2048xf32>
    %eq3A_641 = arith.cmpf oeq, %convert_element_type3A, %eq3A_640 : vector<256x2048xf32>
    %jit3A_642 = arith.constant 0x7F800000 : f32
    %broadcast_in_dim3A_643 = vector.broadcast %jit3A_642 : f32 to vector<256x2048xf32>
    %select_n3A_644 = arith.select %eq3A_641, %broadcast_in_dim3A_643, %select_n3A_628 : vector<256x2048xi1>, vector<256x2048xf32>
    %reduce_min3A_645 = arith.constant dense<0x7F800000> : vector<256xf32>
    %reduce_min3A_646 = vector.multi_reduction <minimumf>, %select_n3A_644, %reduce_min3A_645 [1] : vector<256x2048xf32> to vector<256xf32>
    %broadcast_in_dim3A_647 = vector.shape_cast %reduce_min3A_646 : vector<256xf32> to vector<256x1xf32>
    %eq3A_648 = vector.broadcast %broadcast_in_dim3A_647 : vector<256x1xf32> to vector<256x2048xf32>
    %eq3A_649 = arith.cmpf oeq, %select_n3A_644, %eq3A_648 : vector<256x2048xf32>
    %jit3A_650 = arith.constant 2.048000e+03 : f32
    %broadcast_in_dim3A_651 = vector.broadcast %jit3A_650 : f32 to vector<256x2048xf32>
    %select_n3A_652 = arith.select %eq3A_649, %convert_element_type3A, %broadcast_in_dim3A_651 : vector<256x2048xi1>, vector<256x2048xf32>
    %reduce_min3A_653 = arith.constant dense<0x7F800000> : vector<256xf32>
    %reduce_min3A_654 = vector.multi_reduction <minimumf>, %select_n3A_652, %reduce_min3A_653 [1] : vector<256x2048xf32> to vector<256xf32>
    %broadcast_in_dim3A_655 = vector.shape_cast %reduce_min3A_654 : vector<256xf32> to vector<256x1xf32>
    %eq3A_656 = vector.broadcast %broadcast_in_dim3A_655 : vector<256x1xf32> to vector<256x2048xf32>
    %eq3A_657 = arith.cmpf oeq, %convert_element_type3A, %eq3A_656 : vector<256x2048xf32>
    %jit3A_658 = arith.constant 0x7F800000 : f32
    %broadcast_in_dim3A_659 = vector.broadcast %jit3A_658 : f32 to vector<256x2048xf32>
    %select_n3A_660 = arith.select %eq3A_657, %broadcast_in_dim3A_659, %select_n3A_644 : vector<256x2048xi1>, vector<256x2048xf32>
    %reduce_min3A_661 = arith.constant dense<0x7F800000> : vector<256xf32>
    %reduce_min3A_662 = vector.multi_reduction <minimumf>, %select_n3A_660, %reduce_min3A_661 [1] : vector<256x2048xf32> to vector<256xf32>
    %broadcast_in_dim3A_663 = vector.shape_cast %reduce_min3A_662 : vector<256xf32> to vector<256x1xf32>
    %eq3A_664 = vector.broadcast %broadcast_in_dim3A_663 : vector<256x1xf32> to vector<256x2048xf32>
    %eq3A_665 = arith.cmpf oeq, %select_n3A_660, %eq3A_664 : vector<256x2048xf32>
    %jit3A_666 = arith.constant 2.048000e+03 : f32
    %broadcast_in_dim3A_667 = vector.broadcast %jit3A_666 : f32 to vector<256x2048xf32>
    %select_n3A_668 = arith.select %eq3A_665, %convert_element_type3A, %broadcast_in_dim3A_667 : vector<256x2048xi1>, vector<256x2048xf32>
    %reduce_min3A_669 = arith.constant dense<0x7F800000> : vector<256xf32>
    %reduce_min3A_670 = vector.multi_reduction <minimumf>, %select_n3A_668, %reduce_min3A_669 [1] : vector<256x2048xf32> to vector<256xf32>
    %broadcast_in_dim3A_671 = vector.shape_cast %reduce_min3A_670 : vector<256xf32> to vector<256x1xf32>
    %eq3A_672 = vector.broadcast %broadcast_in_dim3A_671 : vector<256x1xf32> to vector<256x2048xf32>
    %eq3A_673 = arith.cmpf oeq, %convert_element_type3A, %eq3A_672 : vector<256x2048xf32>
    %jit3A_674 = arith.constant 0x7F800000 : f32
    %broadcast_in_dim3A_675 = vector.broadcast %jit3A_674 : f32 to vector<256x2048xf32>
    %select_n3A_676 = arith.select %eq3A_673, %broadcast_in_dim3A_675, %select_n3A_660 : vector<256x2048xi1>, vector<256x2048xf32>
    %reduce_min3A_677 = arith.constant dense<0x7F800000> : vector<256xf32>
    %reduce_min3A_678 = vector.multi_reduction <minimumf>, %select_n3A_676, %reduce_min3A_677 [1] : vector<256x2048xf32> to vector<256xf32>
    %broadcast_in_dim3A_679 = vector.shape_cast %reduce_min3A_678 : vector<256xf32> to vector<256x1xf32>
    %eq3A_680 = vector.broadcast %broadcast_in_dim3A_679 : vector<256x1xf32> to vector<256x2048xf32>
    %eq3A_681 = arith.cmpf oeq, %select_n3A_676, %eq3A_680 : vector<256x2048xf32>
    %jit3A_682 = arith.constant 2.048000e+03 : f32
    %broadcast_in_dim3A_683 = vector.broadcast %jit3A_682 : f32 to vector<256x2048xf32>
    %select_n3A_684 = arith.select %eq3A_681, %convert_element_type3A, %broadcast_in_dim3A_683 : vector<256x2048xi1>, vector<256x2048xf32>
    %reduce_min3A_685 = arith.constant dense<0x7F800000> : vector<256xf32>
    %reduce_min3A_686 = vector.multi_reduction <minimumf>, %select_n3A_684, %reduce_min3A_685 [1] : vector<256x2048xf32> to vector<256xf32>
    %broadcast_in_dim3A_687 = vector.shape_cast %reduce_min3A_686 : vector<256xf32> to vector<256x1xf32>
    %eq3A_688 = vector.broadcast %broadcast_in_dim3A_687 : vector<256x1xf32> to vector<256x2048xf32>
    %eq3A_689 = arith.cmpf oeq, %convert_element_type3A, %eq3A_688 : vector<256x2048xf32>
    %jit3A_690 = arith.constant 0x7F800000 : f32
    %broadcast_in_dim3A_691 = vector.broadcast %jit3A_690 : f32 to vector<256x2048xf32>
    %select_n3A_692 = arith.select %eq3A_689, %broadcast_in_dim3A_691, %select_n3A_676 : vector<256x2048xi1>, vector<256x2048xf32>
    %reduce_min3A_693 = arith.constant dense<0x7F800000> : vector<256xf32>
    %reduce_min3A_694 = vector.multi_reduction <minimumf>, %select_n3A_692, %reduce_min3A_693 [1] : vector<256x2048xf32> to vector<256xf32>
    %broadcast_in_dim3A_695 = vector.shape_cast %reduce_min3A_694 : vector<256xf32> to vector<256x1xf32>
    %eq3A_696 = vector.broadcast %broadcast_in_dim3A_695 : vector<256x1xf32> to vector<256x2048xf32>
    %eq3A_697 = arith.cmpf oeq, %select_n3A_692, %eq3A_696 : vector<256x2048xf32>
    %jit3A_698 = arith.constant 2.048000e+03 : f32
    %broadcast_in_dim3A_699 = vector.broadcast %jit3A_698 : f32 to vector<256x2048xf32>
    %select_n3A_700 = arith.select %eq3A_697, %convert_element_type3A, %broadcast_in_dim3A_699 : vector<256x2048xi1>, vector<256x2048xf32>
    %reduce_min3A_701 = arith.constant dense<0x7F800000> : vector<256xf32>
    %reduce_min3A_702 = vector.multi_reduction <minimumf>, %select_n3A_700, %reduce_min3A_701 [1] : vector<256x2048xf32> to vector<256xf32>
    %broadcast_in_dim3A_703 = vector.shape_cast %reduce_min3A_702 : vector<256xf32> to vector<256x1xf32>
    %eq3A_704 = vector.broadcast %broadcast_in_dim3A_703 : vector<256x1xf32> to vector<256x2048xf32>
    %eq3A_705 = arith.cmpf oeq, %convert_element_type3A, %eq3A_704 : vector<256x2048xf32>
    %jit3A_706 = arith.constant 0x7F800000 : f32
    %broadcast_in_dim3A_707 = vector.broadcast %jit3A_706 : f32 to vector<256x2048xf32>
    %select_n3A_708 = arith.select %eq3A_705, %broadcast_in_dim3A_707, %select_n3A_692 : vector<256x2048xi1>, vector<256x2048xf32>
    %reduce_min3A_709 = arith.constant dense<0x7F800000> : vector<256xf32>
    %reduce_min3A_710 = vector.multi_reduction <minimumf>, %select_n3A_708, %reduce_min3A_709 [1] : vector<256x2048xf32> to vector<256xf32>
    %broadcast_in_dim3A_711 = vector.shape_cast %reduce_min3A_710 : vector<256xf32> to vector<256x1xf32>
    %eq3A_712 = vector.broadcast %broadcast_in_dim3A_711 : vector<256x1xf32> to vector<256x2048xf32>
    %eq3A_713 = arith.cmpf oeq, %select_n3A_708, %eq3A_712 : vector<256x2048xf32>
    %jit3A_714 = arith.constant 2.048000e+03 : f32
    %broadcast_in_dim3A_715 = vector.broadcast %jit3A_714 : f32 to vector<256x2048xf32>
    %select_n3A_716 = arith.select %eq3A_713, %convert_element_type3A, %broadcast_in_dim3A_715 : vector<256x2048xi1>, vector<256x2048xf32>
    %reduce_min3A_717 = arith.constant dense<0x7F800000> : vector<256xf32>
    %reduce_min3A_718 = vector.multi_reduction <minimumf>, %select_n3A_716, %reduce_min3A_717 [1] : vector<256x2048xf32> to vector<256xf32>
    %broadcast_in_dim3A_719 = vector.shape_cast %reduce_min3A_718 : vector<256xf32> to vector<256x1xf32>
    %eq3A_720 = vector.broadcast %broadcast_in_dim3A_719 : vector<256x1xf32> to vector<256x2048xf32>
    %eq3A_721 = arith.cmpf oeq, %convert_element_type3A, %eq3A_720 : vector<256x2048xf32>
    %jit3A_722 = arith.constant 0x7F800000 : f32
    %broadcast_in_dim3A_723 = vector.broadcast %jit3A_722 : f32 to vector<256x2048xf32>
    %select_n3A_724 = arith.select %eq3A_721, %broadcast_in_dim3A_723, %select_n3A_708 : vector<256x2048xi1>, vector<256x2048xf32>
    %reduce_min3A_725 = arith.constant dense<0x7F800000> : vector<256xf32>
    %reduce_min3A_726 = vector.multi_reduction <minimumf>, %select_n3A_724, %reduce_min3A_725 [1] : vector<256x2048xf32> to vector<256xf32>
    %broadcast_in_dim3A_727 = vector.shape_cast %reduce_min3A_726 : vector<256xf32> to vector<256x1xf32>
    %eq3A_728 = vector.broadcast %broadcast_in_dim3A_727 : vector<256x1xf32> to vector<256x2048xf32>
    %eq3A_729 = arith.cmpf oeq, %select_n3A_724, %eq3A_728 : vector<256x2048xf32>
    %jit3A_730 = arith.constant 2.048000e+03 : f32
    %broadcast_in_dim3A_731 = vector.broadcast %jit3A_730 : f32 to vector<256x2048xf32>
    %select_n3A_732 = arith.select %eq3A_729, %convert_element_type3A, %broadcast_in_dim3A_731 : vector<256x2048xi1>, vector<256x2048xf32>
    %reduce_min3A_733 = arith.constant dense<0x7F800000> : vector<256xf32>
    %reduce_min3A_734 = vector.multi_reduction <minimumf>, %select_n3A_732, %reduce_min3A_733 [1] : vector<256x2048xf32> to vector<256xf32>
    %broadcast_in_dim3A_735 = vector.shape_cast %reduce_min3A_734 : vector<256xf32> to vector<256x1xf32>
    %eq3A_736 = vector.broadcast %broadcast_in_dim3A_735 : vector<256x1xf32> to vector<256x2048xf32>
    %eq3A_737 = arith.cmpf oeq, %convert_element_type3A, %eq3A_736 : vector<256x2048xf32>
    %jit3A_738 = arith.constant 0x7F800000 : f32
    %broadcast_in_dim3A_739 = vector.broadcast %jit3A_738 : f32 to vector<256x2048xf32>
    %select_n3A_740 = arith.select %eq3A_737, %broadcast_in_dim3A_739, %select_n3A_724 : vector<256x2048xi1>, vector<256x2048xf32>
    %reduce_min3A_741 = arith.constant dense<0x7F800000> : vector<256xf32>
    %reduce_min3A_742 = vector.multi_reduction <minimumf>, %select_n3A_740, %reduce_min3A_741 [1] : vector<256x2048xf32> to vector<256xf32>
    %broadcast_in_dim3A_743 = vector.shape_cast %reduce_min3A_742 : vector<256xf32> to vector<256x1xf32>
    %eq3A_744 = vector.broadcast %broadcast_in_dim3A_743 : vector<256x1xf32> to vector<256x2048xf32>
    %eq3A_745 = arith.cmpf oeq, %select_n3A_740, %eq3A_744 : vector<256x2048xf32>
    %jit3A_746 = arith.constant 2.048000e+03 : f32
    %broadcast_in_dim3A_747 = vector.broadcast %jit3A_746 : f32 to vector<256x2048xf32>
    %select_n3A_748 = arith.select %eq3A_745, %convert_element_type3A, %broadcast_in_dim3A_747 : vector<256x2048xi1>, vector<256x2048xf32>
    %reduce_min3A_749 = arith.constant dense<0x7F800000> : vector<256xf32>
    %reduce_min3A_750 = vector.multi_reduction <minimumf>, %select_n3A_748, %reduce_min3A_749 [1] : vector<256x2048xf32> to vector<256xf32>
    %broadcast_in_dim3A_751 = vector.shape_cast %reduce_min3A_750 : vector<256xf32> to vector<256x1xf32>
    %eq3A_752 = vector.broadcast %broadcast_in_dim3A_751 : vector<256x1xf32> to vector<256x2048xf32>
    %eq3A_753 = arith.cmpf oeq, %convert_element_type3A, %eq3A_752 : vector<256x2048xf32>
    %jit3A_754 = arith.constant 0x7F800000 : f32
    %broadcast_in_dim3A_755 = vector.broadcast %jit3A_754 : f32 to vector<256x2048xf32>
    %select_n3A_756 = arith.select %eq3A_753, %broadcast_in_dim3A_755, %select_n3A_740 : vector<256x2048xi1>, vector<256x2048xf32>
    %reduce_min3A_757 = arith.constant dense<0x7F800000> : vector<256xf32>
    %reduce_min3A_758 = vector.multi_reduction <minimumf>, %select_n3A_756, %reduce_min3A_757 [1] : vector<256x2048xf32> to vector<256xf32>
    %broadcast_in_dim3A_759 = vector.shape_cast %reduce_min3A_758 : vector<256xf32> to vector<256x1xf32>
    %eq3A_760 = vector.broadcast %broadcast_in_dim3A_759 : vector<256x1xf32> to vector<256x2048xf32>
    %eq3A_761 = arith.cmpf oeq, %select_n3A_756, %eq3A_760 : vector<256x2048xf32>
    %jit3A_762 = arith.constant 2.048000e+03 : f32
    %broadcast_in_dim3A_763 = vector.broadcast %jit3A_762 : f32 to vector<256x2048xf32>
    %select_n3A_764 = arith.select %eq3A_761, %convert_element_type3A, %broadcast_in_dim3A_763 : vector<256x2048xi1>, vector<256x2048xf32>
    %reduce_min3A_765 = arith.constant dense<0x7F800000> : vector<256xf32>
    %reduce_min3A_766 = vector.multi_reduction <minimumf>, %select_n3A_764, %reduce_min3A_765 [1] : vector<256x2048xf32> to vector<256xf32>
    %broadcast_in_dim3A_767 = vector.shape_cast %reduce_min3A_766 : vector<256xf32> to vector<256x1xf32>
    %eq3A_768 = vector.broadcast %broadcast_in_dim3A_767 : vector<256x1xf32> to vector<256x2048xf32>
    %eq3A_769 = arith.cmpf oeq, %convert_element_type3A, %eq3A_768 : vector<256x2048xf32>
    %jit3A_770 = arith.constant 0x7F800000 : f32
    %broadcast_in_dim3A_771 = vector.broadcast %jit3A_770 : f32 to vector<256x2048xf32>
    %select_n3A_772 = arith.select %eq3A_769, %broadcast_in_dim3A_771, %select_n3A_756 : vector<256x2048xi1>, vector<256x2048xf32>
    %reduce_min3A_773 = arith.constant dense<0x7F800000> : vector<256xf32>
    %reduce_min3A_774 = vector.multi_reduction <minimumf>, %select_n3A_772, %reduce_min3A_773 [1] : vector<256x2048xf32> to vector<256xf32>
    %broadcast_in_dim3A_775 = vector.shape_cast %reduce_min3A_774 : vector<256xf32> to vector<256x1xf32>
    %eq3A_776 = vector.broadcast %broadcast_in_dim3A_775 : vector<256x1xf32> to vector<256x2048xf32>
    %eq3A_777 = arith.cmpf oeq, %select_n3A_772, %eq3A_776 : vector<256x2048xf32>
    %jit3A_778 = arith.constant 2.048000e+03 : f32
    %broadcast_in_dim3A_779 = vector.broadcast %jit3A_778 : f32 to vector<256x2048xf32>
    %select_n3A_780 = arith.select %eq3A_777, %convert_element_type3A, %broadcast_in_dim3A_779 : vector<256x2048xi1>, vector<256x2048xf32>
    %reduce_min3A_781 = arith.constant dense<0x7F800000> : vector<256xf32>
    %reduce_min3A_782 = vector.multi_reduction <minimumf>, %select_n3A_780, %reduce_min3A_781 [1] : vector<256x2048xf32> to vector<256xf32>
    %broadcast_in_dim3A_783 = vector.shape_cast %reduce_min3A_782 : vector<256xf32> to vector<256x1xf32>
    %eq3A_784 = vector.broadcast %broadcast_in_dim3A_783 : vector<256x1xf32> to vector<256x2048xf32>
    %eq3A_785 = arith.cmpf oeq, %convert_element_type3A, %eq3A_784 : vector<256x2048xf32>
    %jit3A_786 = arith.constant 0x7F800000 : f32
    %broadcast_in_dim3A_787 = vector.broadcast %jit3A_786 : f32 to vector<256x2048xf32>
    %select_n3A_788 = arith.select %eq3A_785, %broadcast_in_dim3A_787, %select_n3A_772 : vector<256x2048xi1>, vector<256x2048xf32>
    %reduce_min3A_789 = arith.constant dense<0x7F800000> : vector<256xf32>
    %reduce_min3A_790 = vector.multi_reduction <minimumf>, %select_n3A_788, %reduce_min3A_789 [1] : vector<256x2048xf32> to vector<256xf32>
    %broadcast_in_dim3A_791 = vector.shape_cast %reduce_min3A_790 : vector<256xf32> to vector<256x1xf32>
    %eq3A_792 = vector.broadcast %broadcast_in_dim3A_791 : vector<256x1xf32> to vector<256x2048xf32>
    %eq3A_793 = arith.cmpf oeq, %select_n3A_788, %eq3A_792 : vector<256x2048xf32>
    %jit3A_794 = arith.constant 2.048000e+03 : f32
    %broadcast_in_dim3A_795 = vector.broadcast %jit3A_794 : f32 to vector<256x2048xf32>
    %select_n3A_796 = arith.select %eq3A_793, %convert_element_type3A, %broadcast_in_dim3A_795 : vector<256x2048xi1>, vector<256x2048xf32>
    %reduce_min3A_797 = arith.constant dense<0x7F800000> : vector<256xf32>
    %reduce_min3A_798 = vector.multi_reduction <minimumf>, %select_n3A_796, %reduce_min3A_797 [1] : vector<256x2048xf32> to vector<256xf32>
    %broadcast_in_dim3A_799 = vector.shape_cast %reduce_min3A_798 : vector<256xf32> to vector<256x1xf32>
    %broadcast_in_dim3A_800 = arith.constant 0.000000e+00 : f32
    %broadcast_in_dim3A_801 = vector.broadcast %broadcast_in_dim3A_800 : f32 to vector<256x80xf32>
    %concatenate3A = tpu.concatenate %broadcast_in_dim3A_47, %broadcast_in_dim3A_63, %broadcast_in_dim3A_79, %broadcast_in_dim3A_95, %broadcast_in_dim3A_111, %broadcast_in_dim3A_127, %broadcast_in_dim3A_143, %broadcast_in_dim3A_159, %broadcast_in_dim3A_175, %broadcast_in_dim3A_191, %broadcast_in_dim3A_207, %broadcast_in_dim3A_223, %broadcast_in_dim3A_239, %broadcast_in_dim3A_255, %broadcast_in_dim3A_271, %broadcast_in_dim3A_287, %broadcast_in_dim3A_303, %broadcast_in_dim3A_319, %broadcast_in_dim3A_335, %broadcast_in_dim3A_351, %broadcast_in_dim3A_367, %broadcast_in_dim3A_383, %broadcast_in_dim3A_399, %broadcast_in_dim3A_415, %broadcast_in_dim3A_431, %broadcast_in_dim3A_447, %broadcast_in_dim3A_463, %broadcast_in_dim3A_479, %broadcast_in_dim3A_495, %broadcast_in_dim3A_511, %broadcast_in_dim3A_527, %broadcast_in_dim3A_543, %broadcast_in_dim3A_559, %broadcast_in_dim3A_575, %broadcast_in_dim3A_591, %broadcast_in_dim3A_607, %broadcast_in_dim3A_623, %broadcast_in_dim3A_639, %broadcast_in_dim3A_655, %broadcast_in_dim3A_671, %broadcast_in_dim3A_687, %broadcast_in_dim3A_703, %broadcast_in_dim3A_719, %broadcast_in_dim3A_735, %broadcast_in_dim3A_751, %broadcast_in_dim3A_767, %broadcast_in_dim3A_783, %broadcast_in_dim3A_799, %broadcast_in_dim3A_801 in 1 : vector<256x1xf32>, vector<256x1xf32>, vector<256x1xf32>, vector<256x1xf32>, vector<256x1xf32>, vector<256x1xf32>, vector<256x1xf32>, vector<256x1xf32>, vector<256x1xf32>, vector<256x1xf32>, vector<256x1xf32>, vector<256x1xf32>, vector<256x1xf32>, vector<256x1xf32>, vector<256x1xf32>, vector<256x1xf32>, vector<256x1xf32>, vector<256x1xf32>, vector<256x1xf32>, vector<256x1xf32>, vector<256x1xf32>, vector<256x1xf32>, vector<256x1xf32>, vector<256x1xf32>, vector<256x1xf32>, vector<256x1xf32>, vector<256x1xf32>, vector<256x1xf32>, vector<256x1xf32>, vector<256x1xf32>, vector<256x1xf32>, vector<256x1xf32>, vector<256x1xf32>, vector<256x1xf32>, vector<256x1xf32>, vector<256x1xf32>, vector<256x1xf32>, vector<256x1xf32>, vector<256x1xf32>, vector<256x1xf32>, vector<256x1xf32>, vector<256x1xf32>, vector<256x1xf32>, vector<256x1xf32>, vector<256x1xf32>, vector<256x1xf32>, vector<256x1xf32>, vector<256x1xf32>, vector<256x80xf32> -> vector<256x128xf32>
    %convert_element_type3A_802 = arith.fptosi %concatenate3A : vector<256x128xf32> to vector<256x128xi32>
    %swap3A = arith.constant 0 : index
    %swap3A_803 = arith.constant 0 : index
    %swap3A_804 = vector.load %arg3[%swap3A, %swap3A_803] : memref<256x128xi32, #tpu.memory_space<vmem>>, vector<256x128xi32>
    tpu.vector_store %arg3[%swap3A, %swap3A_803], %convert_element_type3A_802 {strides = array<i32>} : memref<256x128xi32, #tpu.memory_space<vmem>>, vector<256x128xi32>,
    return
  }
  func.func @transform_0(%arg0: i32) -> (i32, i32) {
    %c0_i32 = arith.constant 0 : i32
    %c0_i32_0 = arith.constant 0 : i32
    return %arg0, %c0_i32 : i32, i32
  }
  func.func @transform_1(%arg0: i32) -> (i32, i32) {
    %c0_i32 = arith.constant 0 : i32
    %c0_i32_0 = arith.constant 0 : i32
    %c0_i32_1 = arith.constant 0 : i32
    return %c0_i32, %c0_i32_0 : i32, i32
  }
  func.func @transform_2(%arg0: i32) -> (i32, i32) {
    %c0_i32 = arith.constant 0 : i32
    %c0_i32_0 = arith.constant 0 : i32
    return %arg0, %c0_i32 : i32, i32
  }
}

module attributes {stable_mosaic.version = 14 : i64} {
  func.func @_edge_body(%arg0: i32, %arg1: memref<1024x16xf32, #tpu.memory_space<vmem>>, %arg2: memref<1024x16xf32, #tpu.memory_space<vmem>>, %arg3: memref<16x128xf32, #tpu.memory_space<vmem>>, %arg4: memref<16x128xf32, #tpu.memory_space<vmem>>, %arg5: memref<32x512xf32, #tpu.memory_space<vmem>>, %arg6: memref<8x512xf32, #tpu.memory_space<vmem>>, %arg7: memref<128x512xf32, #tpu.memory_space<vmem>>, %arg8: memref<8x512xf32, #tpu.memory_space<vmem>>, %arg9: memref<512x128xf32, #tpu.memory_space<vmem>>, %arg10: memref<8x128xf32, #tpu.memory_space<vmem>>, %arg11: memref<8x128xf32, #tpu.memory_space<vmem>>, %arg12: memref<128x128xf32, #tpu.memory_space<vmem>>, %arg13: memref<8x128xf32, #tpu.memory_space<vmem>>, %arg14: memref<1024x128xf32, #tpu.memory_space<vmem>>) attributes {dimension_semantics = [#tpu.dimension_semantics<arbitrary>], iteration_bounds = array<i64: 96>, scalar_prefetch = 0 : i64, scratch_operands = 0 : i64, tpu.core_type = #tpu.core_type<tc>, window_params = [{transform_indices = @transform_0, window_bounds = array<i64: 1024, 16>}, {transform_indices = @transform_1, window_bounds = array<i64: 1024, 16>}, {pipeline_mode = #tpu.pipeline_mode<synchronous>, transform_indices = @transform_2, window_bounds = array<i64: 16, 128>}, {pipeline_mode = #tpu.pipeline_mode<synchronous>, transform_indices = @transform_3, window_bounds = array<i64: 16, 128>}, {pipeline_mode = #tpu.pipeline_mode<synchronous>, transform_indices = @transform_4, window_bounds = array<i64: 32, 512>}, {pipeline_mode = #tpu.pipeline_mode<synchronous>, transform_indices = @transform_5, window_bounds = array<i64: 8, 512>}, {pipeline_mode = #tpu.pipeline_mode<synchronous>, transform_indices = @transform_6, window_bounds = array<i64: 128, 512>}, {pipeline_mode = #tpu.pipeline_mode<synchronous>, transform_indices = @transform_7, window_bounds = array<i64: 8, 512>}, {pipeline_mode = #tpu.pipeline_mode<synchronous>, transform_indices = @transform_8, window_bounds = array<i64: 512, 128>}, {pipeline_mode = #tpu.pipeline_mode<synchronous>, transform_indices = @transform_9, window_bounds = array<i64: 8, 128>}, {pipeline_mode = #tpu.pipeline_mode<synchronous>, transform_indices = @transform_10, window_bounds = array<i64: 8, 128>}, {pipeline_mode = #tpu.pipeline_mode<synchronous>, transform_indices = @transform_11, window_bounds = array<i64: 128, 128>}, {pipeline_mode = #tpu.pipeline_mode<synchronous>, transform_indices = @transform_12, window_bounds = array<i64: 8, 128>}, {transform_indices = @transform_13, window_bounds = array<i64: 1024, 128>}]} {
    %get3A = arith.constant 0 : index
    %get3A_0 = arith.constant 0 : index
    %get3A_1 = vector.load %arg1[%get3A, %get3A_0] : memref<1024x16xf32, #tpu.memory_space<vmem>>, vector<1024x16xf32>
    %get3A_2 = arith.constant 0 : index
    %get3A_3 = arith.constant 0 : index
    %get3A_4 = vector.load %arg2[%get3A_2, %get3A_3] : memref<1024x16xf32, #tpu.memory_space<vmem>>, vector<1024x16xf32>
    %get3A_5 = arith.constant 0 : index
    %get3A_6 = arith.constant 0 : index
    %get3A_7 = vector.load %arg3[%get3A_5, %get3A_6] : memref<16x128xf32, #tpu.memory_space<vmem>>, vector<16x128xf32>
    %dot_general3A = arith.constant dense<0.000000e+00> : vector<1024x128xf32>
    %dot_general3A_8 = tpu.matmul %get3A_1, %get3A_7, %dot_general3A {dimension_numbers = #tpu.dot_dimension_numbers<[1], [0], [0], [1], [0, 0, 1, 1], [], []>, precision = #tpu.contract_precision<fp32>, transpose_lhs_hint = false} : vector<1024x16xf32>, vector<16x128xf32>, vector<1024x128xf32> -> vector<1024x128xf32>
    %get3A_9 = arith.constant 0 : index
    %get3A_10 = arith.constant 0 : index
    %get3A_11 = vector.load %arg4[%get3A_9, %get3A_10] : memref<16x128xf32, #tpu.memory_space<vmem>>, vector<16x128xf32>
    %dot_general3A_12 = arith.constant dense<0.000000e+00> : vector<1024x128xf32>
    %dot_general3A_13 = tpu.matmul %get3A_4, %get3A_11, %dot_general3A_12 {dimension_numbers = #tpu.dot_dimension_numbers<[1], [0], [0], [1], [0, 0, 1, 1], [], []>, precision = #tpu.contract_precision<fp32>, transpose_lhs_hint = false} : vector<1024x16xf32>, vector<16x128xf32>, vector<1024x128xf32> -> vector<1024x128xf32>
    %sub3A = arith.subf %dot_general3A_8, %dot_general3A_13 : vector<1024x128xf32>
    %mul3A = arith.mulf %sub3A, %sub3A : vector<1024x128xf32>
    %slice3A = vector.extract_strided_slice %mul3A {offsets = [0, 0], sizes = [1024, 32], strides = [1, 1]} : vector<1024x128xf32> to vector<1024x32xf32>
    %slice3A_14 = vector.extract_strided_slice %mul3A {offsets = [0, 32], sizes = [1024, 32], strides = [1, 1]} : vector<1024x128xf32> to vector<1024x32xf32>
    %add3A = arith.addf %slice3A, %slice3A_14 : vector<1024x32xf32>
    %slice3A_15 = vector.extract_strided_slice %mul3A {offsets = [0, 64], sizes = [1024, 32], strides = [1, 1]} : vector<1024x128xf32> to vector<1024x32xf32>
    %add3A_16 = arith.addf %add3A, %slice3A_15 : vector<1024x32xf32>
    %add3A_17 = arith.constant 9.99999997E-7 : f32
    %add3A_18 = vector.broadcast %add3A_17 : f32 to vector<1024x32xf32>
    %add3A_19 = arith.addf %add3A_16, %add3A_18 : vector<1024x32xf32>
    %sqrt3A = math.sqrt %add3A_19 : vector<1024x32xf32>
    %get3A_20 = arith.constant 0 : index
    %get3A_21 = arith.constant 0 : index
    %get3A_22 = vector.load %arg5[%get3A_20, %get3A_21] : memref<32x512xf32, #tpu.memory_space<vmem>>, vector<32x512xf32>
    %dot_general3A_23 = arith.constant dense<0.000000e+00> : vector<1024x512xf32>
    %dot_general3A_24 = tpu.matmul %sqrt3A, %get3A_22, %dot_general3A_23 {dimension_numbers = #tpu.dot_dimension_numbers<[1], [0], [0], [1], [0, 0, 1, 1], [], []>, precision = #tpu.contract_precision<fp32>, transpose_lhs_hint = false} : vector<1024x32xf32>, vector<32x512xf32>, vector<1024x512xf32> -> vector<1024x512xf32>
    %get3A_25 = arith.constant 0 : index
    %get3A_26 = arith.constant 0 : index
    %get3A_27 = vector.load %arg6[%get3A_25, %get3A_26] : memref<8x512xf32, #tpu.memory_space<vmem>>, vector<1x512xf32>
    %sub3A_28 = vector.broadcast %get3A_27 : vector<1x512xf32> to vector<1024x512xf32>
    %sub3A_29 = arith.subf %dot_general3A_24, %sub3A_28 : vector<1024x512xf32>
    %div3A = arith.constant 1.250000e+00 : f32
    %div3A_30 = vector.broadcast %div3A : f32 to vector<1024x512xf32>
    %div3A_31 = arith.divf %sub3A_29, %div3A_30 : vector<1024x512xf32>
    %mul3A_32 = arith.mulf %div3A_31, %div3A_31 : vector<1024x512xf32>
    %neg3A = arith.constant 0.000000e+00 : f32
    %neg3A_33 = vector.broadcast %neg3A : f32 to vector<1024x512xf32>
    %neg3A_34 = arith.subf %neg3A_33, %mul3A_32 : vector<1024x512xf32>
    %exp3A = math.exp %neg3A_34 : vector<1024x512xf32>
    %iota3A = tpu.iota {dimensions = array<i32: 1>} : vector<1024x512xi32>
    %lt3A = arith.constant 16 : i32
    %lt3A_35 = vector.broadcast %lt3A : i32 to vector<1024x512xi32>
    %lt3A_36 = arith.cmpi slt, %iota3A, %lt3A_35 : vector<1024x512xi32>
    %jit3A = arith.constant 0.000000e+00 : f32
    %broadcast_in_dim3A = vector.broadcast %jit3A : f32 to vector<1024x512xf32>
    %select_n3A = arith.select %lt3A_36, %broadcast_in_dim3A, %exp3A : vector<1024x512xi1>, vector<1024x512xf32>
    %slice3A_37 = vector.extract_strided_slice %get3A_1 {offsets = [0, 15], sizes = [1024, 1], strides = [1, 1]} : vector<1024x16xf32> to vector<1024x1xf32>
    %slice3A_38 = vector.extract_strided_slice %get3A_4 {offsets = [0, 15], sizes = [1024, 1], strides = [1, 1]} : vector<1024x16xf32> to vector<1024x1xf32>
    %mul3A_39 = arith.constant 2.44140625E-4 : f32
    %mul3A_40 = vector.broadcast %mul3A_39 : f32 to vector<1024x1xf32>
    %mul3A_41 = arith.mulf %slice3A_37, %mul3A_40 : vector<1024x1xf32>
    %floor3A = math.floor %mul3A_41 : vector<1024x1xf32>
    %mul3A_42 = arith.constant 2.44140625E-4 : f32
    %mul3A_43 = vector.broadcast %mul3A_42 : f32 to vector<1024x1xf32>
    %mul3A_44 = arith.mulf %slice3A_38, %mul3A_43 : vector<1024x1xf32>
    %floor3A_45 = math.floor %mul3A_44 : vector<1024x1xf32>
    %mul3A_46 = arith.constant 4.096000e+03 : f32
    %mul3A_47 = vector.broadcast %mul3A_46 : f32 to vector<1024x1xf32>
    %mul3A_48 = arith.mulf %mul3A_47, %floor3A : vector<1024x1xf32>
    %sub3A_49 = arith.subf %slice3A_37, %mul3A_48 : vector<1024x1xf32>
    %mul3A_50 = arith.constant 4.096000e+03 : f32
    %mul3A_51 = vector.broadcast %mul3A_50 : f32 to vector<1024x1xf32>
    %mul3A_52 = arith.mulf %mul3A_51, %floor3A_45 : vector<1024x1xf32>
    %sub3A_53 = arith.subf %slice3A_38, %mul3A_52 : vector<1024x1xf32>
    %eq3A = arith.cmpf oeq, %floor3A, %floor3A_45 : vector<1024x1xf32>
    %convert_element_type3A = arith.extui %eq3A : vector<1024x1xi1> to vector<1024x1xi32>
    %convert_element_type3A_54 = arith.sitofp %convert_element_type3A : vector<1024x1xi32> to vector<1024x1xf32>
    %sub3A_55 = arith.subf %sub3A_49, %sub3A_53 : vector<1024x1xf32>
    %add3A_56 = arith.constant 3.200000e+01 : f32
    %add3A_57 = vector.broadcast %add3A_56 : f32 to vector<1024x1xf32>
    %add3A_58 = arith.addf %sub3A_55, %add3A_57 : vector<1024x1xf32>
    %jit3A_59 = arith.constant 0.000000e+00 : f32
    %jit3A_60 = arith.constant 6.400000e+01 : f32
    %max3A = vector.broadcast %jit3A_59 : f32 to vector<1024x1xf32>
    %max3A_61 = arith.maximumf %max3A, %add3A_58 : vector<1024x1xf32>
    %min3A = vector.broadcast %jit3A_60 : f32 to vector<1024x1xf32>
    %min3A_62 = arith.minimumf %min3A, %max3A_61 : vector<1024x1xf32>
    %mul3A_63 = arith.mulf %min3A_62, %convert_element_type3A_54 : vector<1024x1xf32>
    %sub3A_64 = arith.constant 1.000000e+00 : f32
    %sub3A_65 = vector.broadcast %sub3A_64 : f32 to vector<1024x1xf32>
    %sub3A_66 = arith.subf %sub3A_65, %convert_element_type3A_54 : vector<1024x1xf32>
    %mul3A_67 = arith.constant 6.500000e+01 : f32
    %mul3A_68 = vector.broadcast %mul3A_67 : f32 to vector<1024x1xf32>
    %mul3A_69 = arith.mulf %sub3A_66, %mul3A_68 : vector<1024x1xf32>
    %add3A_70 = arith.addf %mul3A_63, %mul3A_69 : vector<1024x1xf32>
    %iota3A_71 = tpu.iota {dimensions = array<i32: 1>} : vector<1024x128xi32>
    %convert_element_type3A_72 = arith.sitofp %iota3A_71 : vector<1024x128xi32> to vector<1024x128xf32>
    %eq3A_73 = vector.broadcast %add3A_70 : vector<1024x1xf32> to vector<1024x128xf32>
    %eq3A_74 = arith.cmpf oeq, %convert_element_type3A_72, %eq3A_73 : vector<1024x128xf32>
    %convert_element_type3A_75 = arith.extui %eq3A_74 : vector<1024x128xi1> to vector<1024x128xi32>
    %convert_element_type3A_76 = arith.sitofp %convert_element_type3A_75 : vector<1024x128xi32> to vector<1024x128xf32>
    %get3A_77 = arith.constant 0 : index
    %get3A_78 = arith.constant 0 : index
    %get3A_79 = vector.load %arg7[%get3A_77, %get3A_78] : memref<128x512xf32, #tpu.memory_space<vmem>>, vector<128x512xf32>
    %dot_general3A_80 = arith.constant dense<0.000000e+00> : vector<1024x512xf32>
    %dot_general3A_81 = tpu.matmul %convert_element_type3A_76, %get3A_79, %dot_general3A_80 {dimension_numbers = #tpu.dot_dimension_numbers<[1], [0], [0], [1], [0, 0, 1, 1], [], []>, transpose_lhs_hint = false} : vector<1024x128xf32>, vector<128x512xf32>, vector<1024x512xf32> -> vector<1024x512xf32>
    %add3A_82 = arith.addf %select_n3A, %dot_general3A_81 : vector<1024x512xf32>
    %get3A_83 = arith.constant 0 : index
    %get3A_84 = arith.constant 0 : index
    %get3A_85 = vector.load %arg8[%get3A_83, %get3A_84] : memref<8x512xf32, #tpu.memory_space<vmem>>, vector<1x512xf32>
    %add3A_86 = vector.broadcast %get3A_85 : vector<1x512xf32> to vector<1024x512xf32>
    %add3A_87 = arith.addf %add3A_82, %add3A_86 : vector<1024x512xf32>
    %get3A_88 = arith.constant 0 : index
    %get3A_89 = arith.constant 0 : index
    %get3A_90 = vector.load %arg9[%get3A_88, %get3A_89] : memref<512x128xf32, #tpu.memory_space<vmem>>, vector<512x128xf32>
    %dot_general3A_91 = arith.constant dense<0.000000e+00> : vector<1024x128xf32>
    %dot_general3A_92 = tpu.matmul %add3A_87, %get3A_90, %dot_general3A_91 {dimension_numbers = #tpu.dot_dimension_numbers<[1], [0], [0], [1], [0, 0, 1, 1], [], []>, transpose_lhs_hint = false} : vector<1024x512xf32>, vector<512x128xf32>, vector<1024x128xf32> -> vector<1024x128xf32>
    %reduce_sum3A = arith.constant dense<0.000000e+00> : vector<1024xf32>
    %reduce_sum3A_93 = vector.multi_reduction <add>, %dot_general3A_92, %reduce_sum3A [1] : vector<1024x128xf32> to vector<1024xf32>
    %broadcast_in_dim3A_94 = vector.shape_cast %reduce_sum3A_93 : vector<1024xf32> to vector<1024x1xf32>
    %div3A_95 = arith.constant 1.280000e+02 : f32
    %div3A_96 = vector.broadcast %div3A_95 : f32 to vector<1024x1xf32>
    %div3A_97 = arith.divf %broadcast_in_dim3A_94, %div3A_96 : vector<1024x1xf32>
    %sub3A_98 = vector.broadcast %div3A_97 : vector<1024x1xf32> to vector<1024x128xf32>
    %sub3A_99 = arith.subf %dot_general3A_92, %sub3A_98 : vector<1024x128xf32>
    %mul3A_100 = arith.mulf %sub3A_99, %sub3A_99 : vector<1024x128xf32>
    %reduce_sum3A_101 = arith.constant dense<0.000000e+00> : vector<1024xf32>
    %reduce_sum3A_102 = vector.multi_reduction <add>, %mul3A_100, %reduce_sum3A_101 [1] : vector<1024x128xf32> to vector<1024xf32>
    %broadcast_in_dim3A_103 = vector.shape_cast %reduce_sum3A_102 : vector<1024xf32> to vector<1024x1xf32>
    %div3A_104 = arith.constant 1.280000e+02 : f32
    %div3A_105 = vector.broadcast %div3A_104 : f32 to vector<1024x1xf32>
    %div3A_106 = arith.divf %broadcast_in_dim3A_103, %div3A_105 : vector<1024x1xf32>
    %add3A_107 = arith.constant 9.99999974E-6 : f32
    %add3A_108 = vector.broadcast %add3A_107 : f32 to vector<1024x1xf32>
    %add3A_109 = arith.addf %div3A_106, %add3A_108 : vector<1024x1xf32>
    %sqrt3A_110 = math.sqrt %add3A_109 : vector<1024x1xf32>
    %div3A_111 = vector.broadcast %sqrt3A_110 : vector<1024x1xf32> to vector<1024x128xf32>
    %div3A_112 = arith.divf %sub3A_99, %div3A_111 : vector<1024x128xf32>
    %get3A_113 = arith.constant 0 : index
    %get3A_114 = arith.constant 0 : index
    %get3A_115 = vector.load %arg10[%get3A_113, %get3A_114] : memref<8x128xf32, #tpu.memory_space<vmem>>, vector<1x128xf32>
    %mul3A_116 = vector.broadcast %get3A_115 : vector<1x128xf32> to vector<1024x128xf32>
    %mul3A_117 = arith.mulf %div3A_112, %mul3A_116 : vector<1024x128xf32>
    %get3A_118 = arith.constant 0 : index
    %get3A_119 = arith.constant 0 : index
    %get3A_120 = vector.load %arg11[%get3A_118, %get3A_119] : memref<8x128xf32, #tpu.memory_space<vmem>>, vector<1x128xf32>
    %add3A_121 = vector.broadcast %get3A_120 : vector<1x128xf32> to vector<1024x128xf32>
    %add3A_122 = arith.addf %mul3A_117, %add3A_121 : vector<1024x128xf32>
    %get3A_123 = arith.constant 0 : index
    %get3A_124 = arith.constant 0 : index
    %get3A_125 = vector.load %arg12[%get3A_123, %get3A_124] : memref<128x128xf32, #tpu.memory_space<vmem>>, vector<128x128xf32>
    %dot_general3A_126 = arith.constant dense<0.000000e+00> : vector<1024x128xf32>
    %dot_general3A_127 = tpu.matmul %add3A_122, %get3A_125, %dot_general3A_126 {dimension_numbers = #tpu.dot_dimension_numbers<[1], [0], [0], [1], [0, 0, 1, 1], [], []>, transpose_lhs_hint = false} : vector<1024x128xf32>, vector<128x128xf32>, vector<1024x128xf32> -> vector<1024x128xf32>
    %get3A_128 = arith.constant 0 : index
    %get3A_129 = arith.constant 0 : index
    %get3A_130 = vector.load %arg13[%get3A_128, %get3A_129] : memref<8x128xf32, #tpu.memory_space<vmem>>, vector<1x128xf32>
    %add3A_131 = vector.broadcast %get3A_130 : vector<1x128xf32> to vector<1024x128xf32>
    %add3A_132 = arith.addf %dot_general3A_127, %add3A_131 : vector<1024x128xf32>
    %swap3A = arith.constant 0 : index
    %swap3A_133 = arith.constant 0 : index
    %swap3A_134 = vector.load %arg14[%swap3A, %swap3A_133] : memref<1024x128xf32, #tpu.memory_space<vmem>>, vector<1024x128xf32>
    tpu.vector_store %arg14[%swap3A, %swap3A_133], %add3A_132 {strides = array<i32>} : memref<1024x128xf32, #tpu.memory_space<vmem>>, vector<1024x128xf32>,
    return
  }
  func.func @transform_0(%arg0: i32) -> (i32, i32) {
    %c0_i32 = arith.constant 0 : i32
    %c0_i32_0 = arith.constant 0 : i32
    return %arg0, %c0_i32 : i32, i32
  }
  func.func @transform_1(%arg0: i32) -> (i32, i32) {
    %c0_i32 = arith.constant 0 : i32
    %c0_i32_0 = arith.constant 0 : i32
    return %arg0, %c0_i32 : i32, i32
  }
  func.func @transform_2(%arg0: i32) -> (i32, i32) {
    %c0_i32 = arith.constant 0 : i32
    %c0_i32_0 = arith.constant 0 : i32
    %c0_i32_1 = arith.constant 0 : i32
    return %c0_i32, %c0_i32_0 : i32, i32
  }
  func.func @transform_3(%arg0: i32) -> (i32, i32) {
    %c0_i32 = arith.constant 0 : i32
    %c0_i32_0 = arith.constant 0 : i32
    %c0_i32_1 = arith.constant 0 : i32
    return %c0_i32, %c0_i32_0 : i32, i32
  }
  func.func @transform_4(%arg0: i32) -> (i32, i32) {
    %c0_i32 = arith.constant 0 : i32
    %c0_i32_0 = arith.constant 0 : i32
    %c0_i32_1 = arith.constant 0 : i32
    return %c0_i32, %c0_i32_0 : i32, i32
  }
  func.func @transform_5(%arg0: i32) -> (i32, i32) {
    %c0_i32 = arith.constant 0 : i32
    %c0_i32_0 = arith.constant 0 : i32
    %c0_i32_1 = arith.constant 0 : i32
    return %c0_i32, %c0_i32_0 : i32, i32
  }
  func.func @transform_6(%arg0: i32) -> (i32, i32) {
    %c0_i32 = arith.constant 0 : i32
    %c0_i32_0 = arith.constant 0 : i32
    %c0_i32_1 = arith.constant 0 : i32
    return %c0_i32, %c0_i32_0 : i32, i32
  }
  func.func @transform_7(%arg0: i32) -> (i32, i32) {
    %c0_i32 = arith.constant 0 : i32
    %c0_i32_0 = arith.constant 0 : i32
    %c0_i32_1 = arith.constant 0 : i32
    return %c0_i32, %c0_i32_0 : i32, i32
  }
  func.func @transform_8(%arg0: i32) -> (i32, i32) {
    %c0_i32 = arith.constant 0 : i32
    %c0_i32_0 = arith.constant 0 : i32
    %c0_i32_1 = arith.constant 0 : i32
    return %c0_i32, %c0_i32_0 : i32, i32
  }
  func.func @transform_9(%arg0: i32) -> (i32, i32) {
    %c0_i32 = arith.constant 0 : i32
    %c0_i32_0 = arith.constant 0 : i32
    %c0_i32_1 = arith.constant 0 : i32
    return %c0_i32, %c0_i32_0 : i32, i32
  }
  func.func @transform_10(%arg0: i32) -> (i32, i32) {
    %c0_i32 = arith.constant 0 : i32
    %c0_i32_0 = arith.constant 0 : i32
    %c0_i32_1 = arith.constant 0 : i32
    return %c0_i32, %c0_i32_0 : i32, i32
  }
  func.func @transform_11(%arg0: i32) -> (i32, i32) {
    %c0_i32 = arith.constant 0 : i32
    %c0_i32_0 = arith.constant 0 : i32
    %c0_i32_1 = arith.constant 0 : i32
    return %c0_i32, %c0_i32_0 : i32, i32
  }
  func.func @transform_12(%arg0: i32) -> (i32, i32) {
    %c0_i32 = arith.constant 0 : i32
    %c0_i32_0 = arith.constant 0 : i32
    %c0_i32_1 = arith.constant 0 : i32
    return %c0_i32, %c0_i32_0 : i32, i32
  }
  func.func @transform_13(%arg0: i32) -> (i32, i32) {
    %c0_i32 = arith.constant 0 : i32
    %c0_i32_0 = arith.constant 0 : i32
    return %arg0, %c0_i32 : i32, i32
  }
}

</mosaic_0001>

<sc_bundles>
// kernel: kernel.7.cloned.1.call-start
scs
__scs_entry_jumppad:
0x0: {  	(pc) =	sbr.rel $0x88, $3  }
0x1: {  	(tag) =	ssettag $0x0;
	lr =	simm.s32 $0x1  }
0x2: {  	[smem:$0x3F94] =	sst lr;
	_ =	strace $0xD0000000  }
0x3: {  	_ = 	snop  }
0x4: {  	_ = 	snop  }
0x5: {  	_ = 	snop  }
0x6: {  	_ = 	snop  }
0x7: {  	_ = 	snop  }
__scs_overlays_trampoline_lowered:
0x8: {  	[smem:$0x3FA3] =	sst s0  }
0x9: {  	[smem:$0x3FA4] =	sst s1  }
0xa: {  	[smem:$0x3FA5] =	sst s2  }
0xb: {  	[smem:$0x3FA6] =	sst s3  }
0xc: {  	[smem:$0x3FA7] =	sst s4  }
0xd: {  	[smem:$0x3FA8] =	sst s5  }
0xe: {  	[smem:$0x3FA9] =	sst s6  }
0xf: {  	[smem:$0x3FAA] =	sst s7  }
0x10: {  	[smem:$0x3FAB] =	sst s8  }
0x11: {  	[smem:$0x3FAC] =	sst s9;
	s0 =	simm.s32 @!p0 $0x0  }
0x12: {  	s1 =	sld [smem:$0x3F92];
	s0 =	simm.s32 @p0 $0x1  }
0x13: {  	[smem:$0x3FAD] =	sst s0;
	s0 =	simm.s32 @!p1 $0x0  }
0x14: {  	s2 =	sld [smem:$0x3F91];
	s0 =	simm.s32 @p1 $0x1  }
0x15: {  	[smem:$0x3FAE] =	sst s0;
	s0 =	simm.s32 @!p2 $0x0  }
0x16: {  	s3 =	sld [smem:$0x3FDB];
	s0 =	simm.s32 @p2 $0x1  }
0x17: {  	s4 =	simm.s32 $0x1BF5;
	[smem:$0x3FB0] =	sst s0  }
0x18: {  	s0 =	sld [smem:$0x3F93];
	_ =	swait.ge [sflag:s4], $0x0  }
0x19: {  	s7 =	sld [smem:$0x3F94]  }
0x1a: {  	s8 =	sadd.s32 $0xFFFFE003, lr  }
0x1b: {  	s9 =	sadd.s32 $0xFFFFFEF7, lr;
	s5 =	simm.s32 $0xFFFFFFFF;
	p2 =	slt.u32 s8, $0xFFFFF086  }
0x1c: {  	p1 =	slt.u32 s9, $0xF7A;
	s5 =	simm.s32 @!p2 $0x0  }
0x1d: {  	s5 =	simm.s32 @p1 $0x1;
	p0 =	seq.s32 s7, s2  }
0x1e: {  	s7 =	smul.u32 @!p0 $0xF7A, s2;
	p2 =	seq.s32 @!p0 s5, $0x0  }
0x1f: {  	s9 =	smul.u32 $0xF7A, s1;
	s8 =	simm.s32 @!p0 $0x1BF5;
	p2 =	por !p2, p0  }
0x20: {  	[sflag:s8] =	ssyncset.s32 @!p0 $0xFFFFF086;
	s6 =	sadd.s32 @!p0 s3, s7;
	s7 =	simm.s32 @!p0 $0x108  }
0x21: {  	s3 =	sadd.s32 s3, s9;
	s6 =	sadd.s32 @!p0 $0x88, s6;
	s7 =	simm.s32 @p2 $0x1082  }
0x22: {  	[simem:s7], [sflag:s8] =	dma.local @!p0 [hbm:s6], $0xF7A  }
0x23: {  	s9 =	sor.u32 $0xD0000000, s2;
	s6 =	simm.s32 $0x108;
	_ =	swait.ge @!p0 [sflag:s8], $0x0  }
0x24: {  	s3 =	sadd.s32 $0x88, s3;
	s6 =	simm.s32 @!p1 $0x1082;
	[sflag:s4] =	ssyncset.s32 $0xFFFFF086  }
0x25: {  	[simem:s6], [sflag:s4] =	dma.local [hbm:s3], $0xF7A  }
0x26: {  	[smem:$0x3F94] =	sst s1;
	(tag) =	ssettag s2;
	_ =	strace s9  }
0x27: {  	s1 =	sld [smem:$0x3FA4]  }
0x28: {  	s2 =	sld [smem:$0x3FA5]  }
0x29: {  	s4 =	sld [smem:$0x3FA7]  }
0x2a: {  	p0 =	seq.s32 s5, $0x0;
	s5 =	sld [smem:$0x3FA8]  }
0x2b: {  	s6 =	sld [smem:$0x3FA9]  }
0x2c: {  	s7 =	sld [smem:$0x3FAA]  }
0x2d: {  	s3 =	simm.s32 $0x108;
	s8 =	sld [smem:$0x3FAB]  }
0x2e: {  	s3 =	simm.s32 @!p0 $0x1082;
	s9 =	sld [smem:$0x3FAC]  }
0x2f: {  	lr =	sadd.s32 s0, s3;
	s0 =	sld [smem:$0x3FA3]  }
0x30: {  	s3 =	sld [smem:$0x3FA6]  }
0x31: {  	[smem:$0x3FAF] =	sst s10  }
0x32: {  	s10 =	sld [smem:$0x3FAD];
	_ =	sdelay $0x3  }
0x33: {  	p0 =	seq.s32 s10, $0x1;
	s10 =	sld [smem:$0x3FAF];
	_ =	sdelay $0x3  }
0x34: {  	[smem:$0x3FAF] =	sst s10  }
0x35: {  	s10 =	sld [smem:$0x3FAE];
	_ =	sdelay $0x3  }
0x36: {  	p1 =	seq.s32 s10, $0x1;
	s10 =	sld [smem:$0x3FAF];
	_ =	sdelay $0x3  }
0x37: {  	[smem:$0x3FAF] =	sst s10  }
0x38: {  	s10 =	sld [smem:$0x3FB0]  }
0x39: {  	_ = 	snop;
	(pc) =	sbr.ind lr, $3  }
0x3a: {  	_ = 	snop  }
0x3b: {  	_ = 	snop  }
0x3c: {  	p2 =	seq.s32 s10, $0x1;
	s10 =	sld [smem:$0x3FAF]  }
0x3d: {  	_ =	shalt  }
0x3e: {  	_ =	shalt  }
0x3f: {  	_ =	shalt  }
0x40: {  	_ =	shalt  }
0x41: {  	_ =	shalt  }
0x42: {  	_ =	shalt  }
0x43: {  	_ =	shalt  }
0x44: {  	_ =	shalt  }
0x45: {  	_ =	shalt  }
0x46: {  	_ =	shalt  }
0x47: {  	_ =	shalt  }
0x48: {  	_ =	shalt  }
0x49: {  	_ =	shalt  }
0x4a: {  	_ =	shalt  }
0x4b: {  	_ =	shalt  }
0x4c: {  	_ =	shalt  }
0x4d: {  	_ =	shalt  }
0x4e: {  	_ =	shalt  }
0x4f: {  	_ =	shalt  }
0x50: {  	_ =	shalt  }
0x51: {  	_ =	shalt  }
0x52: {  	_ =	shalt  }
0x53: {  	_ =	shalt  }
0x54: {  	_ =	shalt  }
0x55: {  	_ =	shalt  }
0x56: {  	_ =	shalt  }
0x57: {  	_ =	shalt  }
0x58: {  	_ =	shalt  }
0x59: {  	_ =	shalt  }
0x5a: {  	_ =	shalt  }
0x5b: {  	_ =	shalt  }
0x5c: {  	_ =	shalt  }
0x5d: {  	_ =	shalt  }
0x5e: {  	_ =	shalt  }
0x5f: {  	_ =	shalt  }
0x60: {  	_ =	shalt  }
0x61: {  	_ =	shalt  }
0x62: {  	_ =	shalt  }
0x63: {  	_ =	shalt  }
0x64: {  	_ =	shalt  }
0x65: {  	_ =	shalt  }
0x66: {  	_ =	shalt  }
0x67: {  	_ =	shalt  }
0x68: {  	_ =	shalt  }
0x69: {  	_ =	shalt  }
0x6a: {  	_ =	shalt  }
0x6b: {  	_ =	shalt  }
0x6c: {  	_ =	shalt  }
0x6d: {  	_ =	shalt  }
0x6e: {  	_ =	shalt  }
0x6f: {  	_ =	shalt  }
0x70: {  	_ =	shalt  }
0x71: {  	_ =	shalt  }
0x72: {  	_ =	shalt  }
0x73: {  	_ =	shalt  }
0x74: {  	_ =	shalt  }
0x75: {  	_ =	shalt  }
0x76: {  	_ =	shalt  }
0x77: {  	_ =	shalt  }
0x78: {  	_ =	shalt  }
0x79: {  	_ =	shalt  }
0x7a: {  	_ =	shalt  }
0x7b: {  	_ =	shalt  }
0x7c: {  	_ =	shalt  }
0x7d: {  	_ =	shalt  }
0x7e: {  	_ =	shalt  }
0x7f: {  	_ =	shalt  }
0x80: {  	_ =	shalt  }
0x81: {  	_ =	shalt  }
0x82: {  	_ =	shalt  }
0x83: {  	_ =	shalt  }
0x84: {  	_ =	shalt  }
0x85: {  	_ =	shalt  }
0x86: {  	_ =	shalt  }
0x87: {  	_ =	shalt  }
.Lfunc_end0:
.L_simem_size_0:
called_computation_lowered:
.L_overlay_start_0:
0x88: {  	s2 =	sld [smem:$0x3FD9]  }
0x89: {  	s3 =	sld [smem:$0x3FFE];
	_ =	sdelay $0x1  }
0x8a: {  	s1 =	srdreg.scid  }
0x8b: {  	s0 =	sand.u32 $0x1, s1  }
0x8c: {  	s14 =	sshll.u32 s0, $0xA;
	s2 =	sadd.s32 s3, s2  }
0x8d: {  	s2 =	sadd.s32 s2, s14  }
0x8e: {  	[smem:$0x3FBB] =	sst s2  }
0x8f: {  	_ = 	snop  }
0x90: {  	s2 =	sld [smem:$0x3FD0];
	_ =	sdelay $0x2  }
0x91: {  	s15 =	simm.s32 $0xA;
	s4 =	simm.s32 $0x10  }
0x92: {  	[smem:s4], [sflag:s15] =	dma.local [hbm:s2], $0x1  }
0x93: {  	_ =	swait.eq [sflag:s15], $0x1  }
0x94: {  	[sflag:s15] =	ssyncset.done $0x0  }
0x95: {  	[sflag:s15] =	ssyncadd.s32 $0xFFFFFFFF  }
0x96: {  	s16 =	sld [smem:$0x10];
	(tm) =	ssettm $0x1  }
0x97: {  	s17 =	sld [smem:$0x3FFB];
	_ =	sdelay $0x3  }
0x98: {  	_ =	strace s17  }
0x99: {  	s3 =	sld [smem:$0x3FFC];
	_ =	sdelay $0x3  }
0x9a: {  	_ =	strace s3  }
0x9b: {  	s3 =	sld [smem:$0x3FFD];
	_ =	sdelay $0x3  }
0x9c: {  	_ =	strace s3  }
0x9d: {  	_ =	strace $0x8FFFFFFF  }
0x9e: {  	s18 =	sld [smem:$0x3FDB];
	_ =	sdelay $0x1  }
0x9f: {  	s19 =	simm.s32 $_scs_section_size  }
0xa0: {  	s5 =	simm.s32 $_size__tile_overlayer_lowered;
	s6 =	simm.s32 $_tile_overlayer_lowered  }
0xa1: {  	s22 =	simm.s32 $0x1BFF;
	s21 =	sshll.u32 s6, $0x1;
	s3 =	sadd.s32 s19, s18  }
0xa2: {  	s7 =	simm.s32 $0x0;
	s20 =	sshll.u32 s5, $0x1;
	s5 =	sadd.s32 s21, s3  }
0xa3: {  	[timem:s7], [sflag:s22] =	dma.local [hbm:s5], s20  }
0xa4: {  	_ =	swait.ge [sflag:s22], s20  }
0xa5: {  	s4 =	ssub.s32 $0x0, s20;
	[sflag:s22] =	ssyncset.done $0x0  }
0xa6: {  	[sflag:s22] =	ssyncadd.s32 s4;
	_ =	sdelay $0x1  }
0xa7: {  	s23 =	simm.s32 $0x1B8B  }
0xa8: {  	_ =	swait.ge [sflag:s23], $0x1  }
0xa9: {  	[sflag:s23] =	ssyncset.done $0x0  }
0xaa: {  	s25 =	simm.s32 $0x1B8E;
	s24 =	sld [smem:$0x3FFE];
	[sflag:s23] =	ssyncadd.s32 $0xFFFFFFFF  }
0xab: {  	s26 =	simm.s32 $execute0_lowered;
	[smem:$0x3FD2] =	sst s25  }
0xac: {  	s5 =	sshll.u32 s26, $0x1;
	_ =	strace $0x80000046;
	[dreg:$0x1] =	wrdreg $0xFFFFFFFF  }
0xad: {  	s28 =	simm.s32 $_size_execute0_lowered;
	s3 =	sadd.s32 s3, s5;
	[dreg:$0x0] =	wrdreg $0x0  }
0xae: {  	s5 =	sshll.u32 s28, $0x1;
	[dreg:$0x2] =	wrdreg s3  }
0xaf: {  	[dreg:$0x3] =	wrdreg s5  }
0xb0: {  	[dreg:$0x4] =	wrdreg $0xC0  }
0xb1: {  	_ =	task [dreg:s7], $0x5FFFF  }
0xb2: {  	[dreg:$0x1] =	wrdreg $0xFFFFFFFF  }
0xb3: {  	[dreg:$0x0] =	wrdreg $0x60  }
0xb4: {  	[dreg:$0x2] =	wrdreg s24  }
0xb5: {  	[dreg:$0x3] =	wrdreg s16  }
0xb6: {  	[dreg:$0x4] =	wrdreg $0x9  }
0xb7: {  	_ =	task.clear_ibuf [dreg:s7], $0x5FFFF;
	_ =	strace $0x90000046  }
0xb8: {  	s29 =	simm.s32 $0x9;
	_ =	strace $0x80000048  }
0xb9: {  	_ =	swait.ge [sflag:s29], $0x1  }
0xba: {  	[sflag:s29] =	ssyncadd.s32 $0xFFFFFFFF  }
0xbb: {  	_ =	strace $0x90000048  }
0xbc: {  	_ =	sfence  }
0xbd: {  	s30 =	sld [smem:$0x0];
	_ =	sdelay $0x2  }
0xbe: {  	s31 =	sshll.u32 s1, $0xD;
	s1 =	sshrl.u32 s1, $0x2  }
0xbf: {  	s3 =	sand.u32 $0x4000, s31;
	s1 =	sadd.s32 s1, s30  }
0xc0: {  	s0 =	sor.u32 s3, s0;
	s1 =	sshll.u32 s1, $0x11  }
0xc1: {  	s0 =	sor.u32 s1, s0  }
0xc2: {  	s0 =	sadd.s32 $0x8F2B, s0  }
0xc3: {  	[sflag:s0] =	ssyncadd.remote.s32 $0x1  }
0xc4: {  	_ =	sfence.sel $0xFFFF  }
0xc5: {  	[dreg:$0x0] =	wrdreg $0xFFFFFFFF;
	(pc) =	sbr.abs _section_cstart, $3  }
0xc6: {  	[dreg:$0x1] =	wrdreg $0xFFFFFFFF  }
0xc7: {  	_ =	task.clear_ibuf [dreg:s7], $0x2FFFF;
	_ =	strace $0x9FFFFFFF  }
0xc8: {  	(tm) =	ssettm $0x7FFFFFFF  }
0xc9: {  	_ =	shalt  }
tec
execute0_lowered:
.L_overlay_start_1:
0x0: {  	(tag) =	ssettag $0x1  }
0x1: {  	s1 =	srdreg.scid;
	s0 =	stileid.u32  }
0x2: {  	s6 =	sand.u32 $0x1, s1;
	s30 =	sshll.u32 s0, $0x1  }
0x3: {  	s5 =	rddreg [dreg:$0x0];
	s8 =	sor.u32 s6, s30  }
0x4: {  	s9 =	rddreg [dreg:$0x1];
	s2 =	simm.s32 $0x0;
	s3 =	smul.u32 $0x180, s8  }
0x5: {  	[smem:$0x7FF] =	sst s2  }
0x6: {  	s1 =	rddreg [dreg:$0x2];
	_ =	strace $0x80000047;
	s3 =	sadd.s32 s3, s5  }
0x7: {  	s10 =	ssub.s32 $0x2, s6;
	s4 =	sadd.s32 $0x2600, s3;
	s3 =	simm.s32 $0x2  }
0x8: {  	[tilespmem:s2], [sflag:$0x2] =	stream.linear.gather [hbm4b:s4+s2], $0xC00, $0x38;
	[tilespmem:$0xCC00] =	vst v63  }
0x9: {  	s7 =	simm.s32 $0x1;
	s11 =	sshrl.u32 s10, $0x1;
	_ =	swait.ge [sflag:s3], $0xC00  }
0xa: {  	s6 =	simm.s32 $0xC00;
	s10 =	ssub.s32 s10, s11;
	[sflag:s3] =	ssyncset.done $0x0  }
0xb: {  	s5 =	sadd.s32 $0x1600, s5;
	s31 =	smax.u32 s10, $0x1;
	[sflag:s3] =	ssyncadd.s32 $0xFFFFF400  }
0xc: {  	[tilespmem:s6], [sflag:$0x1] =	stream.indirect.gather [hbm4b:s5+s6], $0x10, s2, s6, $0xb8;
	[tilespmem:$0xCC00] =	vst v63  }
0xd: {  	s8 =	smul.u32 $0x1800, s8;
	p0 =	sne.s32 s31, $0x1;
	_ =	swait.ge [sflag:s7], $0xC000  }
.Ltmp0:
0xe: {  	[sflag:s7] =	ssyncset.done $0x0;
	(pc) =	sbr.rel @!p0 .LBB2_2-.Ltmp0, $4  }
0xf: {  	s8 =	sadd.s32 s9, s8;
	[sflag:s7] =	ssyncadd.s32 $0xFFFF4000  }
0x10: {  	[hbm4b:s8+s2] =	stream.linear.scatter [tilespmem:s6], [sflag:$0x2], $0xC000, $0x38;
	[tilespmem:$0xCC00] =	vst v63  }
0x11: {  	_ =	swait.ge [sflag:s3], $0xC000  }
0x12: {  	s9 =	sadd.s32 $0xFFFFFFFF, s31;
	[sflag:s3] =	ssyncset.done $0x0  }
.LBB2_1:
0x13: {  	p0 =	sne.s32 s9, $0x1;
	s9 =	sadd.s32 $0xFFFFFFFF, s9;
	[sflag:s3] =	ssyncadd.s32 $0xFFFF4000  }
0x14: {  	[tilespmem:s2], [sflag:$0x2] =	stream.linear.gather [hbm4b:s4+s2], $0xC00, $0x38;
	[tilespmem:$0xCC00] =	vst v63  }
0x15: {  	_ =	swait.ge [sflag:s3], $0xC00  }
0x16: {  	[sflag:s3] =	ssyncset.done $0x0  }
0x17: {  	[sflag:s3] =	ssyncadd.s32 $0xFFFFF400  }
0x18: {  	[tilespmem:s6], [sflag:$0x1] =	stream.indirect.gather [hbm4b:s5+s6], $0x10, s2, s6, $0xb8;
	[tilespmem:$0xCC00] =	vst v63  }
0x19: {  	_ =	swait.ge [sflag:s7], $0xC000  }
.Ltmp1:
0x1a: {  	[sflag:s7] =	ssyncset.done $0x0;
	(pc) =	sbr.rel @p0 .LBB2_1-.Ltmp1, $4  }
0x1b: {  	[sflag:s7] =	ssyncadd.s32 $0xFFFF4000  }
0x1c: {  	[hbm4b:s8+s2] =	stream.linear.scatter [tilespmem:s6], [sflag:$0x2], $0xC000, $0x38;
	[tilespmem:$0xCC00] =	vst v63  }
0x1d: {  	_ =	swait.ge [sflag:s3], $0xC000  }
0x1e: {  	[sflag:s3] =	ssyncset.done $0x0  }
.LBB2_2:
0x1f: {  	[sflag:s3] =	ssyncadd.s32 $0xFFFF4000  }
0x20: {  	_ =	sfence.sel $0x180000  }
0x21: {  	[bflag:$0x0] =	sbarrier.arrive $0xFFFF  }
0x22: {  	p0 =	sne.s32 s0, $0x0;
	_ =	strace $0x90000047  }
0x23: {  	s0 =	sadd.s32 @!p0 $0x100000, s1;
	[bflag:$0x2] =	sbarrier.arrive $0xFFFF  }
0x24: {  	[sflag:s0] =	ssyncadd.tile.s32 @!p0 $0x1;
	_ =	shalt  }
.Lfunc_end2:
_tile_overlayer_lowered:
.L_overlay_start_2:
0x25: {  	(tag) =	ssettag $0x2  }
0x26: {  	s0 =	rddreg [dreg:$0x0];
	s2 =	stileid.u32  }
0x27: {  	s1 =	rddreg [dreg:$0x1];
	p0 =	sne.s32 s2, $0x0  }
0x28: {  	s3 =	rddreg [dreg:$0x2];
	[bflag:$0x3] =	sbarrier.arrive $0xFFFF;
	s2 =	simm.s32 @!p0 $0x1C02  }
0x29: {  	[timem:s3], [sflag:s2] =	dma.local @!p0 [hbm:s0], s1  }
0x2a: {  	s0 =	simm.s32 @!p0 $0x2  }
0x2b: {  	_ =	swait.ge @!p0 [sflag:s0], s1  }
0x2c: {  	s1 =	ssub.s32 @!p0 $0x0, s1;
	[sflag:s0] =	ssyncset.done @!p0 $0x0  }
0x2d: {  	[sflag:s0] =	ssyncadd.s32 @!p0 s1  }
0x2e: {  	[bflag:$0x3] =	sbarrier.arrive $0xFFFF  }
0x2f: {  	_ =	shalt  }

</sc_bundles>
